<compile_context>
chip_gen: v7x
topology: tpu7x:2x2x1
jax: 0.10.2.dev20260603
libtpu: 0.0.44.dev20260713+nightly
codegen_flags: <defaults>
</compile_context>

<pallas_src>
import functools

import jax
import jax.numpy as jnp
from jax import lax
from jax.experimental import pallas as pl
from jax.experimental.pallas import tpu as pltpu
from jax.experimental.pallas import tpu_sc as plsc

_N = 10000
_E = 320000
_G = 8
_DOUT = 6
_NC = 2
_NS = 16
_NW = _NC * _NS
_EPT = _E // _NW
_NPT = ((-(-_N // _NW)) + 7) // 8 * 8
_NPAD = _NW * _NPT
_BLK = 128
_CAP = _E + _BLK
_CS = 2000
_IDCAP = 2304
_GC = 80
_NB = 1000

_mesh = plsc.VectorSubcoreMesh(
    core_axis_name="c", subcore_axis_name="s", num_cores=_NC, num_subcores=_NS)

_HI = lax.Precision.HIGHEST


def _dot(a, b):
    return jnp.dot(a, b, precision=_HI, preferred_element_type=jnp.float32)


def _wid():
    return lax.axis_index("s") * _NC + lax.axis_index("c")


def _gather_body(t_hbm, row_hbm, col_hbm, pre_hbm,
                 ib1, ib2, g1, g2, sem1, sem2):
    base = _wid() * _EPT

    def _chunk(ci, _):
        off = pl.multiple_of(base + ci * _GC, 16)
        pltpu.sync_copy(row_hbm.at[pl.ds(off, _GC)], ib1)
        pltpu.sync_copy(col_hbm.at[pl.ds(off, _GC)], ib2)
        c1 = pltpu.async_copy(t_hbm.at[ib1], g1, sem1)
        c2 = pltpu.async_copy(t_hbm.at[ib2], g2, sem2)
        c1.wait()
        c2.wait()

        def _add(r, _):
            for q in range(4):
                a = g1[r, pl.ds(q * 16, 16)]
                b = g2[r, pl.ds(64 + q * 16, 16)]
                g1[r, pl.ds(q * 16, 16)] = a + b
            return 0

        lax.fori_loop(0, _GC, _add, 0)
        pltpu.sync_copy(g1, pre_hbm.at[pl.ds(off, _GC)])
        return 0

    lax.fori_loop(0, _EPT // _GC, _chunk, 0)


def _run_gather(t, row, col):
    f = pl.kernel(
        _gather_body,
        out_type=jax.ShapeDtypeStruct((_E, 128), jnp.float32),
        mesh=_mesh,
        scratch_types=[pltpu.VMEM((_GC,), jnp.int32),
                       pltpu.VMEM((_GC,), jnp.int32),
                       pltpu.VMEM((_GC, 128), jnp.float32),
                       pltpu.VMEM((_GC, 128), jnp.float32),
                       pltpu.SemaphoreType.DMA,
                       pltpu.SemaphoreType.DMA],
    )
    return f(t, row, col)


_EB = 512


def _scatter_body(col_ref, eout_ref, sadd_ref, smax_ref, cnt_ref):
    i = pl.program_id(0)

    @pl.when(i == 0)
    def _():
        sadd_ref[...] = jnp.zeros_like(sadd_ref)
        smax_ref[...] = jnp.full_like(smax_ref, -jnp.inf)
        cnt_ref[...] = jnp.zeros_like(cnt_ref)

    def _edge(e, _):
        c = col_ref[e]
        row = eout_ref[pl.ds(e, 1), pl.ds(0, 64)]
        sadd_ref[pl.ds(c, 1), :] += row
        smax_ref[pl.ds(c, 1), :] = jnp.maximum(smax_ref[pl.ds(c, 1), :], row)
        cnt_ref[pl.ds(c, 1), :] += 1.0
        return 0

    lax.fori_loop(0, _EB, _edge, 0)


def _run_scatter(eout, col):
    full = lambda s: pl.BlockSpec(s, lambda i: (0, 0))
    return pl.pallas_call(
        _scatter_body,
        grid=(_E // _EB,),
        in_specs=[pl.BlockSpec((_EB,), lambda i: (i,),
                               memory_space=pltpu.SMEM),
                  pl.BlockSpec((_EB, 128), lambda i: (i, 0))],
        out_specs=[full((_N, 64)), full((_N, 64)), full((_N, 8))],
        out_shape=[jax.ShapeDtypeStruct((_N, 64), jnp.float32),
                   jax.ShapeDtypeStruct((_N, 64), jnp.float32),
                   jax.ShapeDtypeStruct((_N, 8), jnp.float32)],
    )(col, eout)


def _proj_body(h_ref, b2d_ref, uu_ref, ws_ref, wd_ref, wu_ref, b1_ref,
               t_ref):
    hb = h_ref[...]
    oh = (b2d_ref[...] == lax.broadcasted_iota(jnp.int32, (1, _G), 1)
          ).astype(jnp.float32)
    ug = _dot(uu_ref[...], wu_ref[...])
    p = _dot(hb, ws_ref[...]) + _dot(oh, ug) + b1_ref[...][0:1]
    q = _dot(hb, wd_ref[...])
    t_ref[...] = jnp.concatenate([p, q], axis=1)


def _run_proj(h, batch2d, uu, ws, wd, wu, b1):
    dh = h.shape[1]
    du = uu.shape[1]
    full = lambda s: pl.BlockSpec(s, lambda i: (0, 0))
    return pl.pallas_call(
        _proj_body,
        grid=(_N // _NB,),
        in_specs=[pl.BlockSpec((_NB, dh), lambda i: (i, 0)),
                  pl.BlockSpec((_NB, 1), lambda i: (i, 0)),
                  full((_G, du)), full((dh, 64)), full((dh, 64)),
                  full((du, 64)), full((8, 64))],
        out_specs=pl.BlockSpec((_NB, 128), lambda i: (i, 0)),
        out_shape=jax.ShapeDtypeStruct((_N, 128), jnp.float32),
    )(h, batch2d, uu, ws, wd, wu, b1)


def _edge_body(residual, de, pre_ref, ea_ref, we_ref, w2_ref, b2_ref,
               out_ref):
    ea = ea_ref[...][:, :de]
    hid = jnp.maximum(pre_ref[...][:, :64] + _dot(ea, we_ref[...]), 0.0)
    o = _dot(hid, w2_ref[...]) + b2_ref[...][0:1]
    if residual:
        o = o + ea
    out_ref[...] = jnp.concatenate([o, jnp.zeros_like(o)], axis=1)


def _run_edge(pre, ea, we, w2, b2, residual):
    de = we.shape[0]
    eaw = ea.shape[1]
    eb = 2000
    full = lambda s: pl.BlockSpec(s, lambda i: (0, 0))
    return pl.pallas_call(
        functools.partial(_edge_body, residual, de),
        grid=(_E // eb,),
        in_specs=[pl.BlockSpec((eb, 128), lambda i: (i, 0)),
                  pl.BlockSpec((eb, eaw), lambda i: (i, 0)),
                  full((de, 64)), full((64, 64)), full((8, 64))],
        out_specs=pl.BlockSpec((eb, 128), lambda i: (i, 0)),
        out_shape=jax.ShapeDtypeStruct((_E, 128), jnp.float32),
    )(pre, ea, we, w2, b2)


def _node_body(mode, h_ref, sadd_ref, smax_ref, cnt_ref, b2d_ref, uu_ref,
               wh_ref, wa_ref, wm_ref, wme_ref, wun_ref, b1_ref, w2_ref,
               b2_ref, wgu_ref, wgm_ref, bg1_ref, wg2_ref, bg2_ref,
               o0_ref, ob0_ref, o1_ref, ob1_ref, o2_ref, ob2_ref,
               nout_ref, aadd_ref, amax_ref, acnt_ref, fin_ref):
    i = pl.program_id(0)
    nsteps = pl.num_programs(0)
    h = h_ref[...]
    sadd = sadd_ref[...]
    smaxr = smax_ref[...]
    smax = jnp.where(jnp.isfinite(smaxr), smaxr, 0.0)
    cnt = cnt_ref[...][:, 0:1]
    smean = sadd / jnp.maximum(cnt, 1.0)
    bt2 = b2d_ref[...]
    oh = (bt2 == lax.broadcasted_iota(jnp.int32, (1, _G), 1)
          ).astype(jnp.float32)
    uu = uu_ref[...]
    ugn = _dot(uu, wun_ref[...])
    hid = jnp.maximum(
        _dot(h, wh_ref[...]) + _dot(sadd, wa_ref[...]) +
        _dot(smax, wm_ref[...]) + _dot(smean, wme_ref[...]) +
        _dot(oh, ugn) + b1_ref[...][0:1], 0.0)
    no = _dot(hid, w2_ref[...]) + b2_ref[...][0:1]
    if mode == 2:
        no = no + h
    nout_ref[...] = no

    badd = lax.dot_general(oh, no, (((0,), (0,)), ((), ())),
                           precision=_HI, preferred_element_type=jnp.float32)
    parts = []
    for g in range(_G):
        mg = jnp.max(jnp.where(bt2 == g, no, -jnp.inf),
                     axis=0, keepdims=True)
        parts.append(mg)
    bmax = jnp.concatenate(parts, axis=0)
    bcnt = jnp.broadcast_to(jnp.sum(oh, axis=0)[:, None], (_G, 64))

    @pl.when(i == 0)
    def _():
        aadd_ref[...] = badd
        amax_ref[...] = bmax
        acnt_ref[...] = bcnt

    @pl.when(i > 0)
    def _():
        aadd_ref[...] += badd
        amax_ref[...] = jnp.maximum(amax_ref[...], bmax)
        acnt_ref[...] += bcnt

    @pl.when(i == nsteps - 1)
    def _():
        gadd = aadd_ref[...]
        gcnt = acnt_ref[...][:, 0:1]
        gmean = gadd / jnp.maximum(gcnt, 1.0)
        ghid = jnp.maximum(
            _dot(uu, wgu_ref[...]) + _dot(gmean, wgm_ref[...]) +
            bg1_ref[...][0:1], 0.0)
        go = _dot(ghid, wg2_ref[...]) + bg2_ref[...][0:1]
        if mode == 1:
            fin_ref[...] = go
        else:
            uu2 = go + uu
            gmaxr = amax_ref[...]
            gmax = jnp.where(jnp.isfinite(gmaxr), gmaxr, 0.0)
            cat = jnp.concatenate([gadd, gmean, gmax, uu2], axis=1)
            o = jnp.maximum(_dot(cat, o0_ref[...]) + ob0_ref[...][0:1], 0.0)
            o = jnp.maximum(_dot(o, o1_ref[...]) + ob1_ref[...][0:1], 0.0)
            o = _dot(o, o2_ref[...]) + ob2_ref[...][0:1]
            fin_ref[...] = jax.nn.sigmoid(o)


def _run_node(mode, h, sadd, smax, cnt, batch2d, uu, wh, wa, wm, wme, wun,
              b1, w2, b2, wgu, wgm, bg1, wg2, bg2, o0, ob0, o1, ob1, o2, ob2):
    dh = h.shape[1]
    du = uu.shape[1]
    full = lambda s: pl.BlockSpec(s, lambda i: (0, 0))
    fin_shape = (_G, 64) if mode == 1 else (_G, _DOUT)
    return pl.pallas_call(
        functools.partial(_node_body, mode),
        grid=(_N // _NB,),
        in_specs=[pl.BlockSpec((_NB, dh), lambda i: (i, 0)),
                  pl.BlockSpec((_NB, 64), lambda i: (i, 0)),
                  pl.BlockSpec((_NB, 64), lambda i: (i, 0)),
                  pl.BlockSpec((_NB, 8), lambda i: (i, 0)),
                  pl.BlockSpec((_NB, 1), lambda i: (i, 0)),
                  full((_G, du)),
                  full((dh, 64)), full((64, 64)), full((64, 64)),
                  full((64, 64)), full((du, 64)), full((8, 64)),
                  full((64, 64)), full((8, 64)),
                  full((du, 64)), full((64, 64)), full((8, 64)),
                  full((64, 64)), full((8, 64)),
                  full((256, 64)), full((8, 64)), full((64, 64)),
                  full((8, 64)), full((64, _DOUT)), full((8, _DOUT))],
        out_specs=[pl.BlockSpec((_NB, 64), lambda i: (i, 0)),
                   full((_G, 64)), full((_G, 64)), full((_G, 64)),
                   full(fin_shape)],
        out_shape=[jax.ShapeDtypeStruct((_N, 64), jnp.float32),
                   jax.ShapeDtypeStruct((_G, 64), jnp.float32),
                   jax.ShapeDtypeStruct((_G, 64), jnp.float32),
                   jax.ShapeDtypeStruct((_G, 64), jnp.float32),
                   jax.ShapeDtypeStruct(fin_shape, jnp.float32)],
    )(h, sadd, smax, cnt, batch2d, uu, wh, wa, wm, wme, wun, b1, w2, b2,
      wgu, wgm, bg1, wg2, bg2, o0, ob0, o1, ob1, o2, ob2)


def _b8(b):
    return jnp.broadcast_to(b.reshape(1, -1), (8, b.shape[0]))


def kernel(x, edge_index, edge_attr, u, batch, params):
    row = edge_index[0]
    col = edge_index[1]
    batch2d = batch.reshape(_N, 1)


    h, ea, uu = x, edge_attr, u
    out = None
    for li, lp in enumerate(params["layers"]):
        dh = h.shape[1]
        du = uu.shape[1]
        de = 16 if li == 0 else 64
        ew1, eb1 = lp["edge"][0]["W"], lp["edge"][0]["b"]
        ew2, eb2 = lp["edge"][1]["W"], lp["edge"][1]["b"]
        ws, wd = ew1[:dh], ew1[dh:2 * dh]
        we, wu = ew1[2 * dh:2 * dh + de], ew1[2 * dh + de:]

        t = _run_proj(h, batch2d, uu, ws, wd, wu, _b8(eb1))
        pre = _run_gather(t, row, col)
        eout = _run_edge(pre, ea, we, ew2, _b8(eb2), residual=(li > 0))
        sadd, smax, cnt = _run_scatter(eout, col)

        nw1, nb1 = lp["node"][0]["W"], lp["node"][0]["b"]
        nw2, nb2 = lp["node"][1]["W"], lp["node"][1]["b"]
        wh, wa = nw1[:dh], nw1[dh:dh + 64]
        wm, wme = nw1[dh + 64:dh + 128], nw1[dh + 128:dh + 192]
        wun = nw1[dh + 192:]
        gw1, gb1 = lp["global"][0]["W"], lp["global"][0]["b"]
        gw2, gb2 = lp["global"][1]["W"], lp["global"][1]["b"]
        wgu, wgm = gw1[:du], gw1[du:]

        op = params["out"]
        nout, _, _, _, fin = _run_node(
            1 if li == 0 else 2, h, sadd, smax, cnt, batch2d, uu,
            wh, wa, wm, wme, wun, _b8(nb1), nw2, _b8(nb2),
            wgu, wgm, _b8(gb1), gw2, _b8(gb2),
            op[0]["W"], _b8(op[0]["b"]), op[1]["W"], _b8(op[1]["b"]),
            op[2]["W"], _b8(op[2]["b"]))

        h, ea = nout, eout
        if li == 0:
            uu = fin
        else:
            out = fin
    return out

# --- scband reference (transcript-rebuilt; emitter-appended) ---
"""Pipeline reference for scband-gnn-88072599372051 (READ-ONLY COPY).

The authoritative reference and input builder live on the scoring server;
editing this copy changes nothing except your own understanding.
"""

import jax, jax.numpy as jnp
import numpy as np

N = 10000
E = 320000
DF = 128
DE = 16
DU = 16
G = 8
H = 64
DOUT = 6


def _lin(key, din, dout):
    return {"W": jax.random.normal(key, (din, dout), dtype=jnp.float32) * (din ** -0.5),
            "b": jnp.zeros((dout,), dtype=jnp.float32)}


def _mlp(ps, x):
    h = x @ ps[0]["W"] + ps[0]["b"]
    h = jax.nn.relu(h)
    return h @ ps[1]["W"] + ps[1]["b"]


def _make_params(key):
    ks = jax.random.split(key, 18)
    dims = [
        {"edge": (2 * DF + DE + DU, H, H), "node": (DF + 3 * H + DU, H, H), "global": (H + DU, H, H)},
        {"edge": (2 * H + H + H, H, H), "node": (H + 3 * H + H, H, H), "global": (H + H, H, H)},
    ]
    i = 0
    layers = []
    for d in dims:
        lp = {}
        for name in ("edge", "node", "global"):
            din, hid, dout = d[name]
            lp[name] = [_lin(ks[i], din, hid), _lin(ks[i + 1], hid, dout)]
            i += 2
        layers.append(lp)
    out = [_lin(ks[i], 3 * H + H, H), _lin(ks[i + 1], H, H), _lin(ks[i + 2], H, DOUT)]
    return {"layers": layers, "out": out}


def setup_inputs(seed: int = 0):
    key = jax.random.key(seed)
    ks = jax.random.split(key, 8)
    x = jax.random.normal(ks[0], (N, DF), dtype=jnp.float32)
    edge_index = jax.random.randint(ks[1], (2, E), 0, N, dtype=jnp.int32)
    edge_attr = jax.random.normal(ks[2], (E, DE), dtype=jnp.float32)
    u = jax.random.normal(ks[3], (G, DU), dtype=jnp.float32)
    batch = jnp.sort(jax.random.randint(ks[4], (N,), 0, G, dtype=jnp.int32))
    params = _make_params(ks[5])
    return {"x": x, "edge_index": edge_index, "edge_attr": edge_attr, "u": u, "batch": batch, "params": params}


def _forward(x, edge_attr, u, params, edge_index, batch):
    row = edge_index[0]
    col = edge_index[1]
    h, ea, uu = x, edge_attr, u
    Nn = x.shape[0]
    Gg = u.shape[0]
    for i, lp in enumerate(params["layers"]):
        # EdgeModel: cat([src, dest, edge_attr, u[batch_edge]]) -> MLP (+residual after layer 0)
        e_in = jnp.concatenate([h[row], h[col], ea, uu[batch[row]]], axis=1)
        e_out = _mlp(lp["edge"], e_in)
        if i > 0:
            e_out = e_out + ea
        ea = e_out
        # NodeModel: scatter add/max/mean of edge_attr by dst node
        s_add = jax.ops.segment_sum(ea, col, num_segments=Nn)
        s_max = jax.ops.segment_max(ea, col, num_segments=Nn)
        s_max = jnp.where(jnp.isfinite(s_max), s_max, 0.0)
        cnt = jax.ops.segment_sum(jnp.ones((ea.shape[0],), dtype=ea.dtype), col, num_segments=Nn)
        s_mean = s_add / jnp.maximum(cnt, 1.0)[:, None]
        n_in = jnp.concatenate([h, s_add, s_max, s_mean, uu[batch]], axis=1)
        n_out = _mlp(lp["node"], n_in)
        if i > 0:
            n_out = n_out + h
        h = n_out
        # GlobalModel: cat([u, scatter_mean(x, batch)]) -> MLP (+residual after layer 0)
        g_sum = jax.ops.segment_sum(h, batch, num_segments=Gg)
        g_cnt = jax.ops.segment_sum(jnp.ones((Nn,), dtype=h.dtype), batch, num_segments=Gg)
        g_mean = g_sum / jnp.maximum(g_cnt, 1.0)[:, None]
        g_in = jnp.concatenate([uu, g_mean], axis=1)
        g_out = _mlp(lp["global"], g_in)
        if i > 0:
            g_out = g_out + uu
        uu = g_out
    # readout: global add/mean/max pooling + u
    addpool = jax.ops.segment_sum(h, batch, num_segments=Gg)
    g_cnt = jax.ops.segment_sum(jnp.ones((Nn,), dtype=h.dtype), batch, num_segments=Gg)
    meanpool = addpool / jnp.maximum(g_cnt, 1.0)[:, None]
    maxpool = jax.ops.segment_max(h, batch, num_segments=Gg)
    maxpool = jnp.where(jnp.isfinite(maxpool), maxpool, 0.0)
    out = jnp.concatenate([addpool, meanpool, maxpool, uu], axis=1)
    op = params["out"]
    o = jax.nn.relu(out @ op[0]["W"] + op[0]["b"])
    o = jax.nn.relu(o @ op[1]["W"] + op[1]["b"])
    o = o @ op[2]["W"] + op[2]["b"]
    return jax.nn.sigmoid(o)


def reference(x, edge_index, edge_attr, u, batch, params):
    return _forward(x, edge_attr, u, params, edge_index, batch)

if __name__ == "__main__":
    import jax
    _d = setup_inputs()
    print(jax.jit(kernel)(*tuple(_d.values())))

</pallas_src>

<mosaic_0001>
#map = affine_map<(d0, d1) -> (0, 0)>
#map1 = affine_map<(d0, d1) -> (0)>
module attributes {stable_mosaic.version = 14 : i64} {
  func.func @_gather_body(%arg0: i32, %arg1: i32, %arg2: memref<10000x128xf32, #tpu.memory_space<hbm>>, %arg3: memref<320000xi32, #tpu.memory_space<hbm>>, %arg4: memref<320000xi32, #tpu.memory_space<hbm>>, %arg5: memref<320000x128xf32, #tpu.memory_space<hbm>>, %arg6: memref<80xi32, #tpu.memory_space<vmem>>, %arg7: memref<80xi32, #tpu.memory_space<vmem>>, %arg8: memref<80x128xf32, #tpu.memory_space<vmem>>, %arg9: memref<80x128xf32, #tpu.memory_space<vmem>>, %arg10: memref<!tpu.dma_semaphore, #tpu.memory_space<semaphore_mem>>, %arg11: memref<!tpu.dma_semaphore, #tpu.memory_space<semaphore_mem>>) attributes {dimension_semantics = [#tpu.dimension_semantics<core_parallel>, #tpu.dimension_semantics<subcore_parallel>], iteration_bounds = array<i64: 2, 16>, scalar_prefetch = 0 : i64, scratch_operands = 6 : i64, tpu.core_type = #tpu.core_type<sc_vector_subcore>, window_params = [{transform_indices = #map}, {transform_indices = #map1}, {transform_indices = #map1}, {transform_indices = #map}]} {
    %mul3A = arith.constant 2 : i32
    %mul3A_0 = arith.muli %arg1, %mul3A : i32
    %add3A = arith.addi %mul3A_0, %arg0 : i32
    %mul3A_1 = arith.constant 10000 : i32
    %mul3A_2 = arith.muli %add3A, %mul3A_1 : i32
    %scan3A = arith.constant 0 : i32
    %scan3A_3 = arith.constant 0 : i32
    %scan3A_4 = arith.constant 125 : i32
    %scan3A_5 = arith.addi %scan3A_3, %scan3A_4 : i32
    %scan3A_6 = arith.constant 1 : i32
    %scan3A_7 = scf.for %scan3A_9 = %scan3A_3 to %scan3A_5 step %scan3A_6 iter_args(%scan3A_10 = %scan3A) -> (i32)  : i32 {
      %mul3A_11 = arith.constant 80 : i32
      %mul3A_12 = arith.muli %scan3A_9, %mul3A_11 : i32
      %add3A_13 = arith.addi %mul3A_2, %mul3A_12 : i32
      %multiple_of3A = tpu.assume_multiple %add3A_13, 16 : i32
      "tpu.region"() ({
        %run_scoped3A = tpu.sem_alloc : memref<!tpu.dma_semaphore, #tpu.memory_space<semaphore_mem>>
        %dma_start3A_32 = tpu.memref_slice %arg3[%multiple_of3A] : memref<320000xi32, #tpu.memory_space<hbm>> -> memref<80xi32, #tpu.memory_space<hbm>>
        %dma_start3A_33 = tpu.memref_slice %arg3[%multiple_of3A] : memref<320000xi32, #tpu.memory_space<hbm>> -> memref<80xi32, #tpu.memory_space<hbm>>
        tpu.enqueue_dma source(%dma_start3A_33 : memref<80xi32, #tpu.memory_space<hbm>>) target(%arg6 : memref<80xi32, #tpu.memory_space<vmem>>) target_semaphore(%run_scoped3A : memref<!tpu.dma_semaphore, #tpu.memory_space<semaphore_mem>>)
        %dma_wait3A_34 = tpu.memref_slice %arg3[%multiple_of3A] : memref<320000xi32, #tpu.memory_space<hbm>> -> memref<80xi32, #tpu.memory_space<hbm>>
        %dma_wait3A_35 = tpu.memref_slice %arg3[%multiple_of3A] : memref<320000xi32, #tpu.memory_space<hbm>> -> memref<80xi32, #tpu.memory_space<hbm>>
        tpu.wait_dma2 semaphore(%run_scoped3A : memref<!tpu.dma_semaphore, #tpu.memory_space<semaphore_mem>>) src(%dma_wait3A_35 : memref<80xi32, #tpu.memory_space<hbm>>) dst(%arg6 : memref<80xi32, #tpu.memory_space<vmem>>)
        tpu.yield
      }) : () -> ()
      "tpu.region"() ({
        %run_scoped3A = tpu.sem_alloc : memref<!tpu.dma_semaphore, #tpu.memory_space<semaphore_mem>>
        %dma_start3A_32 = tpu.memref_slice %arg4[%multiple_of3A] : memref<320000xi32, #tpu.memory_space<hbm>> -> memref<80xi32, #tpu.memory_space<hbm>>
        %dma_start3A_33 = tpu.memref_slice %arg4[%multiple_of3A] : memref<320000xi32, #tpu.memory_space<hbm>> -> memref<80xi32, #tpu.memory_space<hbm>>
        tpu.enqueue_dma source(%dma_start3A_33 : memref<80xi32, #tpu.memory_space<hbm>>) target(%arg7 : memref<80xi32, #tpu.memory_space<vmem>>) target_semaphore(%run_scoped3A : memref<!tpu.dma_semaphore, #tpu.memory_space<semaphore_mem>>)
        %dma_wait3A_34 = tpu.memref_slice %arg4[%multiple_of3A] : memref<320000xi32, #tpu.memory_space<hbm>> -> memref<80xi32, #tpu.memory_space<hbm>>
        %dma_wait3A_35 = tpu.memref_slice %arg4[%multiple_of3A] : memref<320000xi32, #tpu.memory_space<hbm>> -> memref<80xi32, #tpu.memory_space<hbm>>
        tpu.wait_dma2 semaphore(%run_scoped3A : memref<!tpu.dma_semaphore, #tpu.memory_space<semaphore_mem>>) src(%dma_wait3A_35 : memref<80xi32, #tpu.memory_space<hbm>>) dst(%arg7 : memref<80xi32, #tpu.memory_space<vmem>>)
        tpu.yield
      }) : () -> ()
      %dma_start3A = arith.constant 0 : i32
      %dma_start3A_14 = arith.constant 0 : i32
      %dma_start3A_15 = tpu.memref_slice %arg2[%dma_start3A, %dma_start3A_14] : memref<10000x128xf32, #tpu.memory_space<hbm>> -> memref<10000x128xf32, #tpu.memory_space<hbm>>
      tpu.enqueue_indirect_dma source(%dma_start3A_15 : memref<10000x128xf32, #tpu.memory_space<hbm>>) target(%arg8 : memref<80x128xf32, #tpu.memory_space<vmem>>) offsets(%arg6 : memref<80xi32, #tpu.memory_space<vmem>>) semaphore(%arg10 : memref<!tpu.dma_semaphore, #tpu.memory_space<semaphore_mem>>)
      %dma_start3A_16 = arith.constant 0 : i32
      %dma_start3A_17 = arith.constant 0 : i32
      %dma_start3A_18 = tpu.memref_slice %arg2[%dma_start3A_16, %dma_start3A_17] : memref<10000x128xf32, #tpu.memory_space<hbm>> -> memref<10000x128xf32, #tpu.memory_space<hbm>>
      tpu.enqueue_indirect_dma source(%dma_start3A_18 : memref<10000x128xf32, #tpu.memory_space<hbm>>) target(%arg9 : memref<80x128xf32, #tpu.memory_space<vmem>>) offsets(%arg7 : memref<80xi32, #tpu.memory_space<vmem>>) semaphore(%arg11 : memref<!tpu.dma_semaphore, #tpu.memory_space<semaphore_mem>>)
      %dma_wait3A = arith.constant 0 : i32
      %dma_wait3A_19 = arith.constant 0 : i32
      %dma_wait3A_20 = tpu.memref_slice %arg2[%dma_wait3A, %dma_wait3A_19] : memref<10000x128xf32, #tpu.memory_space<hbm>> -> memref<10000x128xf32, #tpu.memory_space<hbm>>
      tpu.wait_indirect_dma semaphore(%arg10 : memref<!tpu.dma_semaphore, #tpu.memory_space<semaphore_mem>>) src(%dma_wait3A_20 : memref<10000x128xf32, #tpu.memory_space<hbm>>) dst(%arg8 : memref<80x128xf32, #tpu.memory_space<vmem>>)
      %dma_wait3A_21 = arith.constant 0 : i32
      %dma_wait3A_22 = arith.constant 0 : i32
      %dma_wait3A_23 = tpu.memref_slice %arg2[%dma_wait3A_21, %dma_wait3A_22] : memref<10000x128xf32, #tpu.memory_space<hbm>> -> memref<10000x128xf32, #tpu.memory_space<hbm>>
      tpu.wait_indirect_dma semaphore(%arg11 : memref<!tpu.dma_semaphore, #tpu.memory_space<semaphore_mem>>) src(%dma_wait3A_23 : memref<10000x128xf32, #tpu.memory_space<hbm>>) dst(%arg9 : memref<80x128xf32, #tpu.memory_space<vmem>>)
      %scan3A_24 = arith.constant 0 : i32
      %scan3A_25 = arith.constant 0 : i32
      %scan3A_26 = arith.constant 80 : i32
      %scan3A_27 = arith.addi %scan3A_25, %scan3A_26 : i32
      %scan3A_28 = arith.constant 1 : i32
      %scan3A_29 = scf.for %scan3A_32 = %scan3A_25 to %scan3A_27 step %scan3A_28 iter_args(%scan3A_33 = %scan3A_24) -> (i32)  : i32 {
        %get3A = arith.index_cast %scan3A_32 : i32 to index
        %get3A_34 = arith.constant 0 : index
        %get3A_35 = tpu.vector_load %arg8[%get3A, %get3A_34] {strides = array<i32>} : memref<80x128xf32, #tpu.memory_space<vmem>>, vector<1x16xf32>,
        %get3A_36 = vector.shape_cast %get3A_35 : vector<1x16xf32> to vector<16xf32>
        %get3A_37 = arith.index_cast %scan3A_32 : i32 to index
        %get3A_38 = arith.constant 64 : index
        %get3A_39 = tpu.vector_load %arg9[%get3A_37, %get3A_38] {strides = array<i32>} : memref<80x128xf32, #tpu.memory_space<vmem>>, vector<1x16xf32>,
        %get3A_40 = vector.shape_cast %get3A_39 : vector<1x16xf32> to vector<16xf32>
        %add3A_41 = arith.addf %get3A_36, %get3A_40 : vector<16xf32>
        %swap3A = arith.index_cast %scan3A_32 : i32 to index
        %swap3A_42 = arith.constant 0 : index
        %swap3A_43 = tpu.vector_load %arg8[%swap3A, %swap3A_42] {strides = array<i32>} : memref<80x128xf32, #tpu.memory_space<vmem>>, vector<1x16xf32>,
        %swap3A_44 = vector.shape_cast %swap3A_43 : vector<1x16xf32> to vector<16xf32>
        %swap3A_45 = vector.shape_cast %add3A_41 : vector<16xf32> to vector<1x16xf32>
        tpu.vector_store %arg8[%swap3A, %swap3A_42], %swap3A_45 {strides = array<i32>} : memref<80x128xf32, #tpu.memory_space<vmem>>, vector<1x16xf32>,
        %get3A_46 = arith.index_cast %scan3A_32 : i32 to index
        %get3A_47 = arith.constant 16 : index
        %get3A_48 = tpu.vector_load %arg8[%get3A_46, %get3A_47] {strides = array<i32>} : memref<80x128xf32, #tpu.memory_space<vmem>>, vector<1x16xf32>,
        %get3A_49 = vector.shape_cast %get3A_48 : vector<1x16xf32> to vector<16xf32>
        %get3A_50 = arith.index_cast %scan3A_32 : i32 to index
        %get3A_51 = arith.constant 80 : index
        %get3A_52 = tpu.vector_load %arg9[%get3A_50, %get3A_51] {strides = array<i32>} : memref<80x128xf32, #tpu.memory_space<vmem>>, vector<1x16xf32>,
        %get3A_53 = vector.shape_cast %get3A_52 : vector<1x16xf32> to vector<16xf32>
        %add3A_54 = arith.addf %get3A_49, %get3A_53 : vector<16xf32>
        %swap3A_55 = arith.index_cast %scan3A_32 : i32 to index
        %swap3A_56 = arith.constant 16 : index
        %swap3A_57 = tpu.vector_load %arg8[%swap3A_55, %swap3A_56] {strides = array<i32>} : memref<80x128xf32, #tpu.memory_space<vmem>>, vector<1x16xf32>,
        %swap3A_58 = vector.shape_cast %swap3A_57 : vector<1x16xf32> to vector<16xf32>
        %swap3A_59 = vector.shape_cast %add3A_54 : vector<16xf32> to vector<1x16xf32>
        tpu.vector_store %arg8[%swap3A_55, %swap3A_56], %swap3A_59 {strides = array<i32>} : memref<80x128xf32, #tpu.memory_space<vmem>>, vector<1x16xf32>,
        %get3A_60 = arith.index_cast %scan3A_32 : i32 to index
        %get3A_61 = arith.constant 32 : index
        %get3A_62 = tpu.vector_load %arg8[%get3A_60, %get3A_61] {strides = array<i32>} : memref<80x128xf32, #tpu.memory_space<vmem>>, vector<1x16xf32>,
        %get3A_63 = vector.shape_cast %get3A_62 : vector<1x16xf32> to vector<16xf32>
        %get3A_64 = arith.index_cast %scan3A_32 : i32 to index
        %get3A_65 = arith.constant 96 : index
        %get3A_66 = tpu.vector_load %arg9[%get3A_64, %get3A_65] {strides = array<i32>} : memref<80x128xf32, #tpu.memory_space<vmem>>, vector<1x16xf32>,
        %get3A_67 = vector.shape_cast %get3A_66 : vector<1x16xf32> to vector<16xf32>
        %add3A_68 = arith.addf %get3A_63, %get3A_67 : vector<16xf32>
        %swap3A_69 = arith.index_cast %scan3A_32 : i32 to index
        %swap3A_70 = arith.constant 32 : index
        %swap3A_71 = tpu.vector_load %arg8[%swap3A_69, %swap3A_70] {strides = array<i32>} : memref<80x128xf32, #tpu.memory_space<vmem>>, vector<1x16xf32>,
        %swap3A_72 = vector.shape_cast %swap3A_71 : vector<1x16xf32> to vector<16xf32>
        %swap3A_73 = vector.shape_cast %add3A_68 : vector<16xf32> to vector<1x16xf32>
        tpu.vector_store %arg8[%swap3A_69, %swap3A_70], %swap3A_73 {strides = array<i32>} : memref<80x128xf32, #tpu.memory_space<vmem>>, vector<1x16xf32>,
        %get3A_74 = arith.index_cast %scan3A_32 : i32 to index
        %get3A_75 = arith.constant 48 : index
        %get3A_76 = tpu.vector_load %arg8[%get3A_74, %get3A_75] {strides = array<i32>} : memref<80x128xf32, #tpu.memory_space<vmem>>, vector<1x16xf32>,
        %get3A_77 = vector.shape_cast %get3A_76 : vector<1x16xf32> to vector<16xf32>
        %get3A_78 = arith.index_cast %scan3A_32 : i32 to index
        %get3A_79 = arith.constant 112 : index
        %get3A_80 = tpu.vector_load %arg9[%get3A_78, %get3A_79] {strides = array<i32>} : memref<80x128xf32, #tpu.memory_space<vmem>>, vector<1x16xf32>,
        %get3A_81 = vector.shape_cast %get3A_80 : vector<1x16xf32> to vector<16xf32>
        %add3A_82 = arith.addf %get3A_77, %get3A_81 : vector<16xf32>
        %swap3A_83 = arith.index_cast %scan3A_32 : i32 to index
        %swap3A_84 = arith.constant 48 : index
        %swap3A_85 = tpu.vector_load %arg8[%swap3A_83, %swap3A_84] {strides = array<i32>} : memref<80x128xf32, #tpu.memory_space<vmem>>, vector<1x16xf32>,
        %swap3A_86 = vector.shape_cast %swap3A_85 : vector<1x16xf32> to vector<16xf32>
        %swap3A_87 = vector.shape_cast %add3A_82 : vector<16xf32> to vector<1x16xf32>
        tpu.vector_store %arg8[%swap3A_83, %swap3A_84], %swap3A_87 {strides = array<i32>} : memref<80x128xf32, #tpu.memory_space<vmem>>, vector<1x16xf32>,
        %scan3A_88 = arith.constant 0 : i32
        scf.yield %scan3A_88 : i32
      }
      %scan3A_30 = arith.constant 80 : i32
      "tpu.region"() ({
        %run_scoped3A = tpu.sem_alloc : memref<!tpu.dma_semaphore, #tpu.memory_space<semaphore_mem>>
        %dma_start3A_32 = arith.constant 0 : i32
        %dma_start3A_33 = tpu.memref_slice %arg5[%multiple_of3A, %dma_start3A_32] : memref<320000x128xf32, #tpu.memory_space<hbm>> -> memref<80x128xf32, #tpu.memory_space<hbm>>
        %dma_start3A_34 = arith.constant 0 : i32
        %dma_start3A_35 = tpu.memref_slice %arg5[%multiple_of3A, %dma_start3A_34] : memref<320000x128xf32, #tpu.memory_space<hbm>> -> memref<80x128xf32, #tpu.memory_space<hbm>>
        tpu.enqueue_dma source(%arg8 : memref<80x128xf32, #tpu.memory_space<vmem>>) target(%dma_start3A_35 : memref<80x128xf32, #tpu.memory_space<hbm>>) target_semaphore(%run_scoped3A : memref<!tpu.dma_semaphore, #tpu.memory_space<semaphore_mem>>)
        %dma_wait3A_36 = arith.constant 0 : i32
        %dma_wait3A_37 = tpu.memref_slice %arg5[%multiple_of3A, %dma_wait3A_36] : memref<320000x128xf32, #tpu.memory_space<hbm>> -> memref<80x128xf32, #tpu.memory_space<hbm>>
        %dma_wait3A_38 = arith.constant 0 : i32
        %dma_wait3A_39 = tpu.memref_slice %arg5[%multiple_of3A, %dma_wait3A_38] : memref<320000x128xf32, #tpu.memory_space<hbm>> -> memref<80x128xf32, #tpu.memory_space<hbm>>
        tpu.wait_dma2 semaphore(%run_scoped3A : memref<!tpu.dma_semaphore, #tpu.memory_space<semaphore_mem>>) src(%arg8 : memref<80x128xf32, #tpu.memory_space<vmem>>) dst(%dma_wait3A_39 : memref<80x128xf32, #tpu.memory_space<hbm>>)
        tpu.yield
      }) : () -> ()
      %scan3A_31 = arith.constant 0 : i32
      scf.yield %scan3A_31 : i32
    }
    %scan3A_8 = arith.constant 125 : i32
    return
  }
}

#map = affine_map<(d0, d1) -> (0, 0)>
#map1 = affine_map<(d0, d1) -> (0)>
module attributes {stable_mosaic.version = 14 : i64} {
  func.func @_gather_body(%arg0: i32, %arg1: i32, %arg2: memref<10000x128xf32, #tpu.memory_space<hbm>>, %arg3: memref<320000xi32, #tpu.memory_space<hbm>>, %arg4: memref<320000xi32, #tpu.memory_space<hbm>>, %arg5: memref<320000x128xf32, #tpu.memory_space<hbm>>, %arg6: memref<80xi32, #tpu.memory_space<vmem>>, %arg7: memref<80xi32, #tpu.memory_space<vmem>>, %arg8: memref<80x128xf32, #tpu.memory_space<vmem>>, %arg9: memref<80x128xf32, #tpu.memory_space<vmem>>, %arg10: memref<!tpu.dma_semaphore, #tpu.memory_space<semaphore_mem>>, %arg11: memref<!tpu.dma_semaphore, #tpu.memory_space<semaphore_mem>>) attributes {dimension_semantics = [#tpu.dimension_semantics<core_parallel>, #tpu.dimension_semantics<subcore_parallel>], iteration_bounds = array<i64: 2, 16>, scalar_prefetch = 0 : i64, scratch_operands = 6 : i64, tpu.core_type = #tpu.core_type<sc_vector_subcore>, window_params = [{transform_indices = #map}, {transform_indices = #map1}, {transform_indices = #map1}, {transform_indices = #map}]} {
    %mul3A = arith.constant 2 : i32
    %mul3A_0 = arith.muli %arg1, %mul3A : i32
    %add3A = arith.addi %mul3A_0, %arg0 : i32
    %mul3A_1 = arith.constant 10000 : i32
    %mul3A_2 = arith.muli %add3A, %mul3A_1 : i32
    %scan3A = arith.constant 0 : i32
    %scan3A_3 = arith.constant 0 : i32
    %scan3A_4 = arith.constant 125 : i32
    %scan3A_5 = arith.addi %scan3A_3, %scan3A_4 : i32
    %scan3A_6 = arith.constant 1 : i32
    %scan3A_7 = scf.for %scan3A_9 = %scan3A_3 to %scan3A_5 step %scan3A_6 iter_args(%scan3A_10 = %scan3A) -> (i32)  : i32 {
      %mul3A_11 = arith.constant 80 : i32
      %mul3A_12 = arith.muli %scan3A_9, %mul3A_11 : i32
      %add3A_13 = arith.addi %mul3A_2, %mul3A_12 : i32
      %multiple_of3A = tpu.assume_multiple %add3A_13, 16 : i32
      "tpu.region"() ({
        %run_scoped3A = tpu.sem_alloc : memref<!tpu.dma_semaphore, #tpu.memory_space<semaphore_mem>>
        %dma_start3A_32 = tpu.memref_slice %arg3[%multiple_of3A] : memref<320000xi32, #tpu.memory_space<hbm>> -> memref<80xi32, #tpu.memory_space<hbm>>
        %dma_start3A_33 = tpu.memref_slice %arg3[%multiple_of3A] : memref<320000xi32, #tpu.memory_space<hbm>> -> memref<80xi32, #tpu.memory_space<hbm>>
        tpu.enqueue_dma source(%dma_start3A_33 : memref<80xi32, #tpu.memory_space<hbm>>) target(%arg6 : memref<80xi32, #tpu.memory_space<vmem>>) target_semaphore(%run_scoped3A : memref<!tpu.dma_semaphore, #tpu.memory_space<semaphore_mem>>)
        %dma_wait3A_34 = tpu.memref_slice %arg3[%multiple_of3A] : memref<320000xi32, #tpu.memory_space<hbm>> -> memref<80xi32, #tpu.memory_space<hbm>>
        %dma_wait3A_35 = tpu.memref_slice %arg3[%multiple_of3A] : memref<320000xi32, #tpu.memory_space<hbm>> -> memref<80xi32, #tpu.memory_space<hbm>>
        tpu.wait_dma2 semaphore(%run_scoped3A : memref<!tpu.dma_semaphore, #tpu.memory_space<semaphore_mem>>) src(%dma_wait3A_35 : memref<80xi32, #tpu.memory_space<hbm>>) dst(%arg6 : memref<80xi32, #tpu.memory_space<vmem>>)
        tpu.yield
      }) : () -> ()
      "tpu.region"() ({
        %run_scoped3A = tpu.sem_alloc : memref<!tpu.dma_semaphore, #tpu.memory_space<semaphore_mem>>
        %dma_start3A_32 = tpu.memref_slice %arg4[%multiple_of3A] : memref<320000xi32, #tpu.memory_space<hbm>> -> memref<80xi32, #tpu.memory_space<hbm>>
        %dma_start3A_33 = tpu.memref_slice %arg4[%multiple_of3A] : memref<320000xi32, #tpu.memory_space<hbm>> -> memref<80xi32, #tpu.memory_space<hbm>>
        tpu.enqueue_dma source(%dma_start3A_33 : memref<80xi32, #tpu.memory_space<hbm>>) target(%arg7 : memref<80xi32, #tpu.memory_space<vmem>>) target_semaphore(%run_scoped3A : memref<!tpu.dma_semaphore, #tpu.memory_space<semaphore_mem>>)
        %dma_wait3A_34 = tpu.memref_slice %arg4[%multiple_of3A] : memref<320000xi32, #tpu.memory_space<hbm>> -> memref<80xi32, #tpu.memory_space<hbm>>
        %dma_wait3A_35 = tpu.memref_slice %arg4[%multiple_of3A] : memref<320000xi32, #tpu.memory_space<hbm>> -> memref<80xi32, #tpu.memory_space<hbm>>
        tpu.wait_dma2 semaphore(%run_scoped3A : memref<!tpu.dma_semaphore, #tpu.memory_space<semaphore_mem>>) src(%dma_wait3A_35 : memref<80xi32, #tpu.memory_space<hbm>>) dst(%arg7 : memref<80xi32, #tpu.memory_space<vmem>>)
        tpu.yield
      }) : () -> ()
      %dma_start3A = arith.constant 0 : i32
      %dma_start3A_14 = arith.constant 0 : i32
      %dma_start3A_15 = tpu.memref_slice %arg2[%dma_start3A, %dma_start3A_14] : memref<10000x128xf32, #tpu.memory_space<hbm>> -> memref<10000x128xf32, #tpu.memory_space<hbm>>
      tpu.enqueue_indirect_dma source(%dma_start3A_15 : memref<10000x128xf32, #tpu.memory_space<hbm>>) target(%arg8 : memref<80x128xf32, #tpu.memory_space<vmem>>) offsets(%arg6 : memref<80xi32, #tpu.memory_space<vmem>>) semaphore(%arg10 : memref<!tpu.dma_semaphore, #tpu.memory_space<semaphore_mem>>)
      %dma_start3A_16 = arith.constant 0 : i32
      %dma_start3A_17 = arith.constant 0 : i32
      %dma_start3A_18 = tpu.memref_slice %arg2[%dma_start3A_16, %dma_start3A_17] : memref<10000x128xf32, #tpu.memory_space<hbm>> -> memref<10000x128xf32, #tpu.memory_space<hbm>>
      tpu.enqueue_indirect_dma source(%dma_start3A_18 : memref<10000x128xf32, #tpu.memory_space<hbm>>) target(%arg9 : memref<80x128xf32, #tpu.memory_space<vmem>>) offsets(%arg7 : memref<80xi32, #tpu.memory_space<vmem>>) semaphore(%arg11 : memref<!tpu.dma_semaphore, #tpu.memory_space<semaphore_mem>>)
      %dma_wait3A = arith.constant 0 : i32
      %dma_wait3A_19 = arith.constant 0 : i32
      %dma_wait3A_20 = tpu.memref_slice %arg2[%dma_wait3A, %dma_wait3A_19] : memref<10000x128xf32, #tpu.memory_space<hbm>> -> memref<10000x128xf32, #tpu.memory_space<hbm>>
      tpu.wait_indirect_dma semaphore(%arg10 : memref<!tpu.dma_semaphore, #tpu.memory_space<semaphore_mem>>) src(%dma_wait3A_20 : memref<10000x128xf32, #tpu.memory_space<hbm>>) dst(%arg8 : memref<80x128xf32, #tpu.memory_space<vmem>>)
      %dma_wait3A_21 = arith.constant 0 : i32
      %dma_wait3A_22 = arith.constant 0 : i32
      %dma_wait3A_23 = tpu.memref_slice %arg2[%dma_wait3A_21, %dma_wait3A_22] : memref<10000x128xf32, #tpu.memory_space<hbm>> -> memref<10000x128xf32, #tpu.memory_space<hbm>>
      tpu.wait_indirect_dma semaphore(%arg11 : memref<!tpu.dma_semaphore, #tpu.memory_space<semaphore_mem>>) src(%dma_wait3A_23 : memref<10000x128xf32, #tpu.memory_space<hbm>>) dst(%arg9 : memref<80x128xf32, #tpu.memory_space<vmem>>)
      %scan3A_24 = arith.constant 0 : i32
      %scan3A_25 = arith.constant 0 : i32
      %scan3A_26 = arith.constant 80 : i32
      %scan3A_27 = arith.addi %scan3A_25, %scan3A_26 : i32
      %scan3A_28 = arith.constant 1 : i32
      %scan3A_29 = scf.for %scan3A_32 = %scan3A_25 to %scan3A_27 step %scan3A_28 iter_args(%scan3A_33 = %scan3A_24) -> (i32)  : i32 {
        %get3A = arith.index_cast %scan3A_32 : i32 to index
        %get3A_34 = arith.constant 0 : index
        %get3A_35 = tpu.vector_load %arg8[%get3A, %get3A_34] {strides = array<i32>} : memref<80x128xf32, #tpu.memory_space<vmem>>, vector<1x16xf32>,
        %get3A_36 = vector.shape_cast %get3A_35 : vector<1x16xf32> to vector<16xf32>
        %get3A_37 = arith.index_cast %scan3A_32 : i32 to index
        %get3A_38 = arith.constant 64 : index
        %get3A_39 = tpu.vector_load %arg9[%get3A_37, %get3A_38] {strides = array<i32>} : memref<80x128xf32, #tpu.memory_space<vmem>>, vector<1x16xf32>,
        %get3A_40 = vector.shape_cast %get3A_39 : vector<1x16xf32> to vector<16xf32>
        %add3A_41 = arith.addf %get3A_36, %get3A_40 : vector<16xf32>
        %swap3A = arith.index_cast %scan3A_32 : i32 to index
        %swap3A_42 = arith.constant 0 : index
        %swap3A_43 = tpu.vector_load %arg8[%swap3A, %swap3A_42] {strides = array<i32>} : memref<80x128xf32, #tpu.memory_space<vmem>>, vector<1x16xf32>,
        %swap3A_44 = vector.shape_cast %swap3A_43 : vector<1x16xf32> to vector<16xf32>
        %swap3A_45 = vector.shape_cast %add3A_41 : vector<16xf32> to vector<1x16xf32>
        tpu.vector_store %arg8[%swap3A, %swap3A_42], %swap3A_45 {strides = array<i32>} : memref<80x128xf32, #tpu.memory_space<vmem>>, vector<1x16xf32>,
        %get3A_46 = arith.index_cast %scan3A_32 : i32 to index
        %get3A_47 = arith.constant 16 : index
        %get3A_48 = tpu.vector_load %arg8[%get3A_46, %get3A_47] {strides = array<i32>} : memref<80x128xf32, #tpu.memory_space<vmem>>, vector<1x16xf32>,
        %get3A_49 = vector.shape_cast %get3A_48 : vector<1x16xf32> to vector<16xf32>
        %get3A_50 = arith.index_cast %scan3A_32 : i32 to index
        %get3A_51 = arith.constant 80 : index
        %get3A_52 = tpu.vector_load %arg9[%get3A_50, %get3A_51] {strides = array<i32>} : memref<80x128xf32, #tpu.memory_space<vmem>>, vector<1x16xf32>,
        %get3A_53 = vector.shape_cast %get3A_52 : vector<1x16xf32> to vector<16xf32>
        %add3A_54 = arith.addf %get3A_49, %get3A_53 : vector<16xf32>
        %swap3A_55 = arith.index_cast %scan3A_32 : i32 to index
        %swap3A_56 = arith.constant 16 : index
        %swap3A_57 = tpu.vector_load %arg8[%swap3A_55, %swap3A_56] {strides = array<i32>} : memref<80x128xf32, #tpu.memory_space<vmem>>, vector<1x16xf32>,
        %swap3A_58 = vector.shape_cast %swap3A_57 : vector<1x16xf32> to vector<16xf32>
        %swap3A_59 = vector.shape_cast %add3A_54 : vector<16xf32> to vector<1x16xf32>
        tpu.vector_store %arg8[%swap3A_55, %swap3A_56], %swap3A_59 {strides = array<i32>} : memref<80x128xf32, #tpu.memory_space<vmem>>, vector<1x16xf32>,
        %get3A_60 = arith.index_cast %scan3A_32 : i32 to index
        %get3A_61 = arith.constant 32 : index
        %get3A_62 = tpu.vector_load %arg8[%get3A_60, %get3A_61] {strides = array<i32>} : memref<80x128xf32, #tpu.memory_space<vmem>>, vector<1x16xf32>,
        %get3A_63 = vector.shape_cast %get3A_62 : vector<1x16xf32> to vector<16xf32>
        %get3A_64 = arith.index_cast %scan3A_32 : i32 to index
        %get3A_65 = arith.constant 96 : index
        %get3A_66 = tpu.vector_load %arg9[%get3A_64, %get3A_65] {strides = array<i32>} : memref<80x128xf32, #tpu.memory_space<vmem>>, vector<1x16xf32>,
        %get3A_67 = vector.shape_cast %get3A_66 : vector<1x16xf32> to vector<16xf32>
        %add3A_68 = arith.addf %get3A_63, %get3A_67 : vector<16xf32>
        %swap3A_69 = arith.index_cast %scan3A_32 : i32 to index
        %swap3A_70 = arith.constant 32 : index
        %swap3A_71 = tpu.vector_load %arg8[%swap3A_69, %swap3A_70] {strides = array<i32>} : memref<80x128xf32, #tpu.memory_space<vmem>>, vector<1x16xf32>,
        %swap3A_72 = vector.shape_cast %swap3A_71 : vector<1x16xf32> to vector<16xf32>
        %swap3A_73 = vector.shape_cast %add3A_68 : vector<16xf32> to vector<1x16xf32>
        tpu.vector_store %arg8[%swap3A_69, %swap3A_70], %swap3A_73 {strides = array<i32>} : memref<80x128xf32, #tpu.memory_space<vmem>>, vector<1x16xf32>,
        %get3A_74 = arith.index_cast %scan3A_32 : i32 to index
        %get3A_75 = arith.constant 48 : index
        %get3A_76 = tpu.vector_load %arg8[%get3A_74, %get3A_75] {strides = array<i32>} : memref<80x128xf32, #tpu.memory_space<vmem>>, vector<1x16xf32>,
        %get3A_77 = vector.shape_cast %get3A_76 : vector<1x16xf32> to vector<16xf32>
        %get3A_78 = arith.index_cast %scan3A_32 : i32 to index
        %get3A_79 = arith.constant 112 : index
        %get3A_80 = tpu.vector_load %arg9[%get3A_78, %get3A_79] {strides = array<i32>} : memref<80x128xf32, #tpu.memory_space<vmem>>, vector<1x16xf32>,
        %get3A_81 = vector.shape_cast %get3A_80 : vector<1x16xf32> to vector<16xf32>
        %add3A_82 = arith.addf %get3A_77, %get3A_81 : vector<16xf32>
        %swap3A_83 = arith.index_cast %scan3A_32 : i32 to index
        %swap3A_84 = arith.constant 48 : index
        %swap3A_85 = tpu.vector_load %arg8[%swap3A_83, %swap3A_84] {strides = array<i32>} : memref<80x128xf32, #tpu.memory_space<vmem>>, vector<1x16xf32>,
        %swap3A_86 = vector.shape_cast %swap3A_85 : vector<1x16xf32> to vector<16xf32>
        %swap3A_87 = vector.shape_cast %add3A_82 : vector<16xf32> to vector<1x16xf32>
        tpu.vector_store %arg8[%swap3A_83, %swap3A_84], %swap3A_87 {strides = array<i32>} : memref<80x128xf32, #tpu.memory_space<vmem>>, vector<1x16xf32>,
        %scan3A_88 = arith.constant 0 : i32
        scf.yield %scan3A_88 : i32
      }
      %scan3A_30 = arith.constant 80 : i32
      "tpu.region"() ({
        %run_scoped3A = tpu.sem_alloc : memref<!tpu.dma_semaphore, #tpu.memory_space<semaphore_mem>>
        %dma_start3A_32 = arith.constant 0 : i32
        %dma_start3A_33 = tpu.memref_slice %arg5[%multiple_of3A, %dma_start3A_32] : memref<320000x128xf32, #tpu.memory_space<hbm>> -> memref<80x128xf32, #tpu.memory_space<hbm>>
        %dma_start3A_34 = arith.constant 0 : i32
        %dma_start3A_35 = tpu.memref_slice %arg5[%multiple_of3A, %dma_start3A_34] : memref<320000x128xf32, #tpu.memory_space<hbm>> -> memref<80x128xf32, #tpu.memory_space<hbm>>
        tpu.enqueue_dma source(%arg8 : memref<80x128xf32, #tpu.memory_space<vmem>>) target(%dma_start3A_35 : memref<80x128xf32, #tpu.memory_space<hbm>>) target_semaphore(%run_scoped3A : memref<!tpu.dma_semaphore, #tpu.memory_space<semaphore_mem>>)
        %dma_wait3A_36 = arith.constant 0 : i32
        %dma_wait3A_37 = tpu.memref_slice %arg5[%multiple_of3A, %dma_wait3A_36] : memref<320000x128xf32, #tpu.memory_space<hbm>> -> memref<80x128xf32, #tpu.memory_space<hbm>>
        %dma_wait3A_38 = arith.constant 0 : i32
        %dma_wait3A_39 = tpu.memref_slice %arg5[%multiple_of3A, %dma_wait3A_38] : memref<320000x128xf32, #tpu.memory_space<hbm>> -> memref<80x128xf32, #tpu.memory_space<hbm>>
        tpu.wait_dma2 semaphore(%run_scoped3A : memref<!tpu.dma_semaphore, #tpu.memory_space<semaphore_mem>>) src(%arg8 : memref<80x128xf32, #tpu.memory_space<vmem>>) dst(%dma_wait3A_39 : memref<80x128xf32, #tpu.memory_space<hbm>>)
        tpu.yield
      }) : () -> ()
      %scan3A_31 = arith.constant 0 : i32
      scf.yield %scan3A_31 : i32
    }
    %scan3A_8 = arith.constant 125 : i32
    return
  }
}

module attributes {stable_mosaic.version = 14 : i64} {
  func.func @_proj_body(%arg0: i32, %arg1: memref<1000x128xf32, #tpu.memory_space<vmem>>, %arg2: memref<1000x1xi32, #tpu.memory_space<vmem>>, %arg3: memref<8x16xf32, #tpu.memory_space<vmem>>, %arg4: memref<128x64xf32, #tpu.memory_space<vmem>>, %arg5: memref<128x64xf32, #tpu.memory_space<vmem>>, %arg6: memref<16x64xf32, #tpu.memory_space<vmem>>, %arg7: memref<8x64xf32, #tpu.memory_space<vmem>>, %arg8: memref<1000x128xf32, #tpu.memory_space<vmem>>) attributes {dimension_semantics = [#tpu.dimension_semantics<arbitrary>], iteration_bounds = array<i64: 10>, scalar_prefetch = 0 : i64, scratch_operands = 0 : i64, tpu.core_type = #tpu.core_type<tc>, window_params = [{transform_indices = @transform_0, window_bounds = array<i64: 1000, 128>}, {transform_indices = @transform_1, window_bounds = array<i64: 1000, 1>}, {pipeline_mode = #tpu.pipeline_mode<synchronous>, transform_indices = @transform_2, window_bounds = array<i64: 8, 16>}, {pipeline_mode = #tpu.pipeline_mode<synchronous>, transform_indices = @transform_3, window_bounds = array<i64: 128, 64>}, {pipeline_mode = #tpu.pipeline_mode<synchronous>, transform_indices = @transform_4, window_bounds = array<i64: 128, 64>}, {pipeline_mode = #tpu.pipeline_mode<synchronous>, transform_indices = @transform_5, window_bounds = array<i64: 16, 64>}, {pipeline_mode = #tpu.pipeline_mode<synchronous>, transform_indices = @transform_6, window_bounds = array<i64: 8, 64>}, {transform_indices = @transform_7, window_bounds = array<i64: 1000, 128>}]} {
    %get3A = arith.constant 0 : index
    %get3A_0 = arith.constant 0 : index
    %get3A_1 = vector.load %arg1[%get3A, %get3A_0] : memref<1000x128xf32, #tpu.memory_space<vmem>>, vector<1000x128xf32>
    %get3A_2 = arith.constant 0 : index
    %get3A_3 = arith.constant 0 : index
    %get3A_4 = vector.load %arg2[%get3A_2, %get3A_3] : memref<1000x1xi32, #tpu.memory_space<vmem>>, vector<1000x1xi32>
    %iota3A = tpu.iota {dimensions = array<i32: 1>} : vector<1x8xi32>
    %eq3A = vector.broadcast %get3A_4 : vector<1000x1xi32> to vector<1000x8xi32>
    %eq3A_5 = vector.broadcast %iota3A : vector<1x8xi32> to vector<1000x8xi32>
    %eq3A_6 = arith.cmpi eq, %eq3A, %eq3A_5 : vector<1000x8xi32>
    %convert_element_type3A = arith.extui %eq3A_6 : vector<1000x8xi1> to vector<1000x8xi32>
    %convert_element_type3A_7 = arith.sitofp %convert_element_type3A : vector<1000x8xi32> to vector<1000x8xf32>
    %get3A_8 = arith.constant 0 : index
    %get3A_9 = arith.constant 0 : index
    %get3A_10 = vector.load %arg3[%get3A_8, %get3A_9] : memref<8x16xf32, #tpu.memory_space<vmem>>, vector<8x16xf32>
    %get3A_11 = arith.constant 0 : index
    %get3A_12 = arith.constant 0 : index
    %get3A_13 = vector.load %arg6[%get3A_11, %get3A_12] : memref<16x64xf32, #tpu.memory_space<vmem>>, vector<16x64xf32>
    %dot_general3A = arith.constant dense<0.000000e+00> : vector<8x64xf32>
    %dot_general3A_14 = tpu.matmul %get3A_10, %get3A_13, %dot_general3A {dimension_numbers = #tpu.dot_dimension_numbers<[1], [0], [0], [1], [0, 0, 1, 1], [], []>, precision = #tpu.contract_precision<fp32>, transpose_lhs_hint = false} : vector<8x16xf32>, vector<16x64xf32>, vector<8x64xf32> -> vector<8x64xf32>
    %get3A_15 = arith.constant 0 : index
    %get3A_16 = arith.constant 0 : index
    %get3A_17 = vector.load %arg4[%get3A_15, %get3A_16] : memref<128x64xf32, #tpu.memory_space<vmem>>, vector<128x64xf32>
    %dot_general3A_18 = arith.constant dense<0.000000e+00> : vector<1000x64xf32>
    %dot_general3A_19 = tpu.matmul %get3A_1, %get3A_17, %dot_general3A_18 {dimension_numbers = #tpu.dot_dimension_numbers<[1], [0], [0], [1], [0, 0, 1, 1], [], []>, precision = #tpu.contract_precision<fp32>, transpose_lhs_hint = false} : vector<1000x128xf32>, vector<128x64xf32>, vector<1000x64xf32> -> vector<1000x64xf32>
    %dot_general3A_20 = arith.constant dense<0.000000e+00> : vector<1000x64xf32>
    %dot_general3A_21 = tpu.matmul %convert_element_type3A_7, %dot_general3A_14, %dot_general3A_20 {dimension_numbers = #tpu.dot_dimension_numbers<[1], [0], [0], [1], [0, 0, 1, 1], [], []>, precision = #tpu.contract_precision<fp32>, transpose_lhs_hint = false} : vector<1000x8xf32>, vector<8x64xf32>, vector<1000x64xf32> -> vector<1000x64xf32>
    %add3A = arith.addf %dot_general3A_19, %dot_general3A_21 : vector<1000x64xf32>
    %get3A_22 = arith.constant 0 : index
    %get3A_23 = arith.constant 0 : index
    %get3A_24 = vector.load %arg7[%get3A_22, %get3A_23] : memref<8x64xf32, #tpu.memory_space<vmem>>, vector<8x64xf32>
    %slice3A = vector.extract_strided_slice %get3A_24 {offsets = [0, 0], sizes = [1, 64], strides = [1, 1]} : vector<8x64xf32> to vector<1x64xf32>
    %add3A_25 = vector.broadcast %slice3A : vector<1x64xf32> to vector<1000x64xf32>
    %add3A_26 = arith.addf %add3A, %add3A_25 : vector<1000x64xf32>
    %get3A_27 = arith.constant 0 : index
    %get3A_28 = arith.constant 0 : index
    %get3A_29 = vector.load %arg5[%get3A_27, %get3A_28] : memref<128x64xf32, #tpu.memory_space<vmem>>, vector<128x64xf32>
    %dot_general3A_30 = arith.constant dense<0.000000e+00> : vector<1000x64xf32>
    %dot_general3A_31 = tpu.matmul %get3A_1, %get3A_29, %dot_general3A_30 {dimension_numbers = #tpu.dot_dimension_numbers<[1], [0], [0], [1], [0, 0, 1, 1], [], []>, precision = #tpu.contract_precision<fp32>, transpose_lhs_hint = false} : vector<1000x128xf32>, vector<128x64xf32>, vector<1000x64xf32> -> vector<1000x64xf32>
    %concatenate3A = tpu.concatenate %add3A_26, %dot_general3A_31 in 1 : vector<1000x64xf32>, vector<1000x64xf32> -> vector<1000x128xf32>
    %swap3A = arith.constant 0 : index
    %swap3A_32 = arith.constant 0 : index
    %swap3A_33 = vector.load %arg8[%swap3A, %swap3A_32] : memref<1000x128xf32, #tpu.memory_space<vmem>>, vector<1000x128xf32>
    tpu.vector_store %arg8[%swap3A, %swap3A_32], %concatenate3A {strides = array<i32>} : memref<1000x128xf32, #tpu.memory_space<vmem>>, vector<1000x128xf32>,
    return
  }
  func.func @transform_0(%arg0: i32) -> (i32, i32) {
    %c0_i32 = arith.constant 0 : i32
    %c0_i32_0 = arith.constant 0 : i32
    return %arg0, %c0_i32 : i32, i32
  }
  func.func @transform_1(%arg0: i32) -> (i32, i32) {
    %c0_i32 = arith.constant 0 : i32
    %c0_i32_0 = arith.constant 0 : i32
    return %arg0, %c0_i32 : i32, i32
  }
  func.func @transform_2(%arg0: i32) -> (i32, i32) {
    %c0_i32 = arith.constant 0 : i32
    %c0_i32_0 = arith.constant 0 : i32
    %c0_i32_1 = arith.constant 0 : i32
    return %c0_i32, %c0_i32_0 : i32, i32
  }
  func.func @transform_3(%arg0: i32) -> (i32, i32) {
    %c0_i32 = arith.constant 0 : i32
    %c0_i32_0 = arith.constant 0 : i32
    %c0_i32_1 = arith.constant 0 : i32
    return %c0_i32, %c0_i32_0 : i32, i32
  }
  func.func @transform_4(%arg0: i32) -> (i32, i32) {
    %c0_i32 = arith.constant 0 : i32
    %c0_i32_0 = arith.constant 0 : i32
    %c0_i32_1 = arith.constant 0 : i32
    return %c0_i32, %c0_i32_0 : i32, i32
  }
  func.func @transform_5(%arg0: i32) -> (i32, i32) {
    %c0_i32 = arith.constant 0 : i32
    %c0_i32_0 = arith.constant 0 : i32
    %c0_i32_1 = arith.constant 0 : i32
    return %c0_i32, %c0_i32_0 : i32, i32
  }
  func.func @transform_6(%arg0: i32) -> (i32, i32) {
    %c0_i32 = arith.constant 0 : i32
    %c0_i32_0 = arith.constant 0 : i32
    %c0_i32_1 = arith.constant 0 : i32
    return %c0_i32, %c0_i32_0 : i32, i32
  }
  func.func @transform_7(%arg0: i32) -> (i32, i32) {
    %c0_i32 = arith.constant 0 : i32
    %c0_i32_0 = arith.constant 0 : i32
    return %arg0, %c0_i32 : i32, i32
  }
}

module attributes {stable_mosaic.version = 14 : i64} {
  func.func @_scatter_body(%arg0: i32, %arg1: memref<512xi32, #tpu.memory_space<smem>>, %arg2: memref<512x128xf32, #tpu.memory_space<vmem>>, %arg3: memref<10000x64xf32, #tpu.memory_space<vmem>>, %arg4: memref<10000x64xf32, #tpu.memory_space<vmem>>, %arg5: memref<10000x8xf32, #tpu.memory_space<vmem>>) attributes {dimension_semantics = [#tpu.dimension_semantics<arbitrary>], iteration_bounds = array<i64: 625>, scalar_prefetch = 0 : i64, scratch_operands = 0 : i64, tpu.core_type = #tpu.core_type<tc>, window_params = [{transform_indices = @transform_0, window_bounds = array<i64: 512>}, {transform_indices = @transform_1, window_bounds = array<i64: 512, 128>}, {pipeline_mode = #tpu.pipeline_mode<synchronous>, transform_indices = @transform_2, window_bounds = array<i64: 10000, 64>}, {pipeline_mode = #tpu.pipeline_mode<synchronous>, transform_indices = @transform_3, window_bounds = array<i64: 10000, 64>}, {pipeline_mode = #tpu.pipeline_mode<synchronous>, transform_indices = @transform_4, window_bounds = array<i64: 10000, 8>}]} {
    %eq3A = arith.constant 0 : i32
    %eq3A_0 = arith.cmpi eq, %arg0, %eq3A : i32
    %convert_element_type3A = arith.extui %eq3A_0 : i1 to i32
    %cond3A = arith.constant 0 : i32
    %cond3A_1 = arith.cmpi ne, %convert_element_type3A, %cond3A : i32
    scf.if %cond3A_1 {
      %broadcast_in_dim3A = arith.constant 0.000000e+00 : f32
      %broadcast_in_dim3A_6 = vector.broadcast %broadcast_in_dim3A : f32 to vector<10000x64xf32>
      %swap3A = arith.constant 0 : index
      %swap3A_7 = arith.constant 0 : index
      %swap3A_8 = vector.load %arg3[%swap3A, %swap3A_7] : memref<10000x64xf32, #tpu.memory_space<vmem>>, vector<10000x64xf32>
      tpu.vector_store %arg3[%swap3A, %swap3A_7], %broadcast_in_dim3A_6 {strides = array<i32>} : memref<10000x64xf32, #tpu.memory_space<vmem>>, vector<10000x64xf32>,
      %broadcast_in_dim3A_9 = arith.constant 0xFF800000 : f32
      %broadcast_in_dim3A_10 = vector.broadcast %broadcast_in_dim3A_9 : f32 to vector<10000x64xf32>
      %swap3A_11 = arith.constant 0 : index
      %swap3A_12 = arith.constant 0 : index
      %swap3A_13 = vector.load %arg4[%swap3A_11, %swap3A_12] : memref<10000x64xf32, #tpu.memory_space<vmem>>, vector<10000x64xf32>
      tpu.vector_store %arg4[%swap3A_11, %swap3A_12], %broadcast_in_dim3A_10 {strides = array<i32>} : memref<10000x64xf32, #tpu.memory_space<vmem>>, vector<10000x64xf32>,
      %broadcast_in_dim3A_14 = arith.constant 0.000000e+00 : f32
      %broadcast_in_dim3A_15 = vector.broadcast %broadcast_in_dim3A_14 : f32 to vector<10000x8xf32>
      %swap3A_16 = arith.constant 0 : index
      %swap3A_17 = arith.constant 0 : index
      %swap3A_18 = vector.load %arg5[%swap3A_16, %swap3A_17] : memref<10000x8xf32, #tpu.memory_space<vmem>>, vector<10000x8xf32>
      tpu.vector_store %arg5[%swap3A_16, %swap3A_17], %broadcast_in_dim3A_15 {strides = array<i32>} : memref<10000x8xf32, #tpu.memory_space<vmem>>, vector<10000x8xf32>,
    } else {
    }
    %scan3A = arith.constant 0 : i32
    %scan3A_2 = arith.constant 512 : i32
    %scan3A_3 = arith.addi %scan3A, %scan3A_2 : i32
    %scan3A_4 = arith.constant 1 : i32
    scf.for %scan3A_6 = %scan3A to %scan3A_3 step %scan3A_4  : i32 {
      %get3A = arith.index_cast %scan3A_6 : i32 to index
      %get3A_7 = memref.load %arg1[%get3A] : memref<512xi32, #tpu.memory_space<smem>>
      %get3A_8 = arith.index_cast %scan3A_6 : i32 to index
      %get3A_9 = arith.constant 0 : index
      %get3A_10 = vector.load %arg2[%get3A_8, %get3A_9] : memref<512x128xf32, #tpu.memory_space<vmem>>, vector<1x64xf32>
      %get3A_11 = arith.index_cast %get3A_7 : i32 to index
      %get3A_12 = arith.constant 0 : index
      %get3A_13 = vector.load %arg3[%get3A_11, %get3A_12] : memref<10000x64xf32, #tpu.memory_space<vmem>>, vector<1x64xf32>
      %add3A = arith.addf %get3A_13, %get3A_10 : vector<1x64xf32>
      %swap3A = arith.index_cast %get3A_7 : i32 to index
      %swap3A_14 = arith.constant 0 : index
      %swap3A_15 = vector.load %arg3[%swap3A, %swap3A_14] : memref<10000x64xf32, #tpu.memory_space<vmem>>, vector<1x64xf32>
      tpu.vector_store %arg3[%swap3A, %swap3A_14], %add3A {strides = array<i32>} : memref<10000x64xf32, #tpu.memory_space<vmem>>, vector<1x64xf32>,
      %get3A_16 = arith.index_cast %get3A_7 : i32 to index
      %get3A_17 = arith.constant 0 : index
      %get3A_18 = vector.load %arg4[%get3A_16, %get3A_17] : memref<10000x64xf32, #tpu.memory_space<vmem>>, vector<1x64xf32>
      %max3A = arith.maximumf %get3A_18, %get3A_10 : vector<1x64xf32>
      %swap3A_19 = arith.index_cast %get3A_7 : i32 to index
      %swap3A_20 = arith.constant 0 : index
      %swap3A_21 = vector.load %arg4[%swap3A_19, %swap3A_20] : memref<10000x64xf32, #tpu.memory_space<vmem>>, vector<1x64xf32>
      tpu.vector_store %arg4[%swap3A_19, %swap3A_20], %max3A {strides = array<i32>} : memref<10000x64xf32, #tpu.memory_space<vmem>>, vector<1x64xf32>,
      %get3A_22 = arith.index_cast %get3A_7 : i32 to index
      %get3A_23 = arith.constant 0 : index
      %get3A_24 = vector.load %arg5[%get3A_22, %get3A_23] : memref<10000x8xf32, #tpu.memory_space<vmem>>, vector<1x8xf32>
      %add3A_25 = arith.constant 1.000000e+00 : f32
      %add3A_26 = vector.broadcast %add3A_25 : f32 to vector<1x8xf32>
      %add3A_27 = arith.addf %get3A_24, %add3A_26 : vector<1x8xf32>
      %swap3A_28 = arith.index_cast %get3A_7 : i32 to index
      %swap3A_29 = arith.constant 0 : index
      %swap3A_30 = vector.load %arg5[%swap3A_28, %swap3A_29] : memref<10000x8xf32, #tpu.memory_space<vmem>>, vector<1x8xf32>
      tpu.vector_store %arg5[%swap3A_28, %swap3A_29], %add3A_27 {strides = array<i32>} : memref<10000x8xf32, #tpu.memory_space<vmem>>, vector<1x8xf32>,
    }
    %scan3A_5 = arith.constant 512 : i32
    return
  }
  func.func @transform_0(%arg0: i32) -> i32 {
    %c0_i32 = arith.constant 0 : i32
    return %arg0 : i32
  }
  func.func @transform_1(%arg0: i32) -> (i32, i32) {
    %c0_i32 = arith.constant 0 : i32
    %c0_i32_0 = arith.constant 0 : i32
    return %arg0, %c0_i32 : i32, i32
  }
  func.func @transform_2(%arg0: i32) -> (i32, i32) {
    %c0_i32 = arith.constant 0 : i32
    %c0_i32_0 = arith.constant 0 : i32
    %c0_i32_1 = arith.constant 0 : i32
    return %c0_i32, %c0_i32_0 : i32, i32
  }
  func.func @transform_3(%arg0: i32) -> (i32, i32) {
    %c0_i32 = arith.constant 0 : i32
    %c0_i32_0 = arith.constant 0 : i32
    %c0_i32_1 = arith.constant 0 : i32
    return %c0_i32, %c0_i32_0 : i32, i32
  }
  func.func @transform_4(%arg0: i32) -> (i32, i32) {
    %c0_i32 = arith.constant 0 : i32
    %c0_i32_0 = arith.constant 0 : i32
    %c0_i32_1 = arith.constant 0 : i32
    return %c0_i32, %c0_i32_0 : i32, i32
  }
}

module attributes {stable_mosaic.version = 14 : i64} {
  func.func @_edge_body(%arg0: i32, %arg1: memref<2000x128xf32, #tpu.memory_space<vmem>>, %arg2: memref<2000x16xf32, #tpu.memory_space<vmem>>, %arg3: memref<16x64xf32, #tpu.memory_space<vmem>>, %arg4: memref<64x64xf32, #tpu.memory_space<vmem>>, %arg5: memref<8x64xf32, #tpu.memory_space<vmem>>, %arg6: memref<2000x128xf32, #tpu.memory_space<vmem>>) attributes {dimension_semantics = [#tpu.dimension_semantics<arbitrary>], iteration_bounds = array<i64: 160>, scalar_prefetch = 0 : i64, scratch_operands = 0 : i64, tpu.core_type = #tpu.core_type<tc>, window_params = [{transform_indices = @transform_0, window_bounds = array<i64: 2000, 128>}, {transform_indices = @transform_1, window_bounds = array<i64: 2000, 16>}, {pipeline_mode = #tpu.pipeline_mode<synchronous>, transform_indices = @transform_2, window_bounds = array<i64: 16, 64>}, {pipeline_mode = #tpu.pipeline_mode<synchronous>, transform_indices = @transform_3, window_bounds = array<i64: 64, 64>}, {pipeline_mode = #tpu.pipeline_mode<synchronous>, transform_indices = @transform_4, window_bounds = array<i64: 8, 64>}, {transform_indices = @transform_5, window_bounds = array<i64: 2000, 128>}]} {
    %get3A = arith.constant 0 : index
    %get3A_0 = arith.constant 0 : index
    %get3A_1 = vector.load %arg2[%get3A, %get3A_0] : memref<2000x16xf32, #tpu.memory_space<vmem>>, vector<2000x16xf32>
    %get3A_2 = arith.constant 0 : index
    %get3A_3 = arith.constant 0 : index
    %get3A_4 = vector.load %arg1[%get3A_2, %get3A_3] : memref<2000x128xf32, #tpu.memory_space<vmem>>, vector<2000x128xf32>
    %slice3A = vector.extract_strided_slice %get3A_4 {offsets = [0, 0], sizes = [2000, 64], strides = [1, 1]} : vector<2000x128xf32> to vector<2000x64xf32>
    %get3A_5 = arith.constant 0 : index
    %get3A_6 = arith.constant 0 : index
    %get3A_7 = vector.load %arg3[%get3A_5, %get3A_6] : memref<16x64xf32, #tpu.memory_space<vmem>>, vector<16x64xf32>
    %dot_general3A = arith.constant dense<0.000000e+00> : vector<2000x64xf32>
    %dot_general3A_8 = tpu.matmul %get3A_1, %get3A_7, %dot_general3A {dimension_numbers = #tpu.dot_dimension_numbers<[1], [0], [0], [1], [0, 0, 1, 1], [], []>, precision = #tpu.contract_precision<fp32>, transpose_lhs_hint = false} : vector<2000x16xf32>, vector<16x64xf32>, vector<2000x64xf32> -> vector<2000x64xf32>
    %add3A = arith.addf %slice3A, %dot_general3A_8 : vector<2000x64xf32>
    %max3A = arith.constant 0.000000e+00 : f32
    %max3A_9 = vector.broadcast %max3A : f32 to vector<2000x64xf32>
    %max3A_10 = arith.maximumf %add3A, %max3A_9 : vector<2000x64xf32>
    %get3A_11 = arith.constant 0 : index
    %get3A_12 = arith.constant 0 : index
    %get3A_13 = vector.load %arg4[%get3A_11, %get3A_12] : memref<64x64xf32, #tpu.memory_space<vmem>>, vector<64x64xf32>
    %dot_general3A_14 = arith.constant dense<0.000000e+00> : vector<2000x64xf32>
    %dot_general3A_15 = tpu.matmul %max3A_10, %get3A_13, %dot_general3A_14 {dimension_numbers = #tpu.dot_dimension_numbers<[1], [0], [0], [1], [0, 0, 1, 1], [], []>, precision = #tpu.contract_precision<fp32>, transpose_lhs_hint = false} : vector<2000x64xf32>, vector<64x64xf32>, vector<2000x64xf32> -> vector<2000x64xf32>
    %get3A_16 = arith.constant 0 : index
    %get3A_17 = arith.constant 0 : index
    %get3A_18 = vector.load %arg5[%get3A_16, %get3A_17] : memref<8x64xf32, #tpu.memory_space<vmem>>, vector<8x64xf32>
    %slice3A_19 = vector.extract_strided_slice %get3A_18 {offsets = [0, 0], sizes = [1, 64], strides = [1, 1]} : vector<8x64xf32> to vector<1x64xf32>
    %add3A_20 = vector.broadcast %slice3A_19 : vector<1x64xf32> to vector<2000x64xf32>
    %add3A_21 = arith.addf %dot_general3A_15, %add3A_20 : vector<2000x64xf32>
    %broadcast_in_dim3A = arith.constant 0.000000e+00 : f32
    %broadcast_in_dim3A_22 = vector.broadcast %broadcast_in_dim3A : f32 to vector<2000x64xf32>
    %concatenate3A = tpu.concatenate %add3A_21, %broadcast_in_dim3A_22 in 1 : vector<2000x64xf32>, vector<2000x64xf32> -> vector<2000x128xf32>
    %swap3A = arith.constant 0 : index
    %swap3A_23 = arith.constant 0 : index
    %swap3A_24 = vector.load %arg6[%swap3A, %swap3A_23] : memref<2000x128xf32, #tpu.memory_space<vmem>>, vector<2000x128xf32>
    tpu.vector_store %arg6[%swap3A, %swap3A_23], %concatenate3A {strides = array<i32>} : memref<2000x128xf32, #tpu.memory_space<vmem>>, vector<2000x128xf32>,
    return
  }
  func.func @transform_0(%arg0: i32) -> (i32, i32) {
    %c0_i32 = arith.constant 0 : i32
    %c0_i32_0 = arith.constant 0 : i32
    return %arg0, %c0_i32 : i32, i32
  }
  func.func @transform_1(%arg0: i32) -> (i32, i32) {
    %c0_i32 = arith.constant 0 : i32
    %c0_i32_0 = arith.constant 0 : i32
    return %arg0, %c0_i32 : i32, i32
  }
  func.func @transform_2(%arg0: i32) -> (i32, i32) {
    %c0_i32 = arith.constant 0 : i32
    %c0_i32_0 = arith.constant 0 : i32
    %c0_i32_1 = arith.constant 0 : i32
    return %c0_i32, %c0_i32_0 : i32, i32
  }
  func.func @transform_3(%arg0: i32) -> (i32, i32) {
    %c0_i32 = arith.constant 0 : i32
    %c0_i32_0 = arith.constant 0 : i32
    %c0_i32_1 = arith.constant 0 : i32
    return %c0_i32, %c0_i32_0 : i32, i32
  }
  func.func @transform_4(%arg0: i32) -> (i32, i32) {
    %c0_i32 = arith.constant 0 : i32
    %c0_i32_0 = arith.constant 0 : i32
    %c0_i32_1 = arith.constant 0 : i32
    return %c0_i32, %c0_i32_0 : i32, i32
  }
  func.func @transform_5(%arg0: i32) -> (i32, i32) {
    %c0_i32 = arith.constant 0 : i32
    %c0_i32_0 = arith.constant 0 : i32
    return %arg0, %c0_i32 : i32, i32
  }
}

module attributes {stable_mosaic.version = 14 : i64} {
  func.func @_node_body(%arg0: i32, %arg1: memref<1000x128xf32, #tpu.memory_space<vmem>>, %arg2: memref<1000x64xf32, #tpu.memory_space<vmem>>, %arg3: memref<1000x64xf32, #tpu.memory_space<vmem>>, %arg4: memref<1000x8xf32, #tpu.memory_space<vmem>>, %arg5: memref<1000x1xi32, #tpu.memory_space<vmem>>, %arg6: memref<8x16xf32, #tpu.memory_space<vmem>>, %arg7: memref<128x64xf32, #tpu.memory_space<vmem>>, %arg8: memref<64x64xf32, #tpu.memory_space<vmem>>, %arg9: memref<64x64xf32, #tpu.memory_space<vmem>>, %arg10: memref<64x64xf32, #tpu.memory_space<vmem>>, %arg11: memref<16x64xf32, #tpu.memory_space<vmem>>, %arg12: memref<8x64xf32, #tpu.memory_space<vmem>>, %arg13: memref<64x64xf32, #tpu.memory_space<vmem>>, %arg14: memref<8x64xf32, #tpu.memory_space<vmem>>, %arg15: memref<16x64xf32, #tpu.memory_space<vmem>>, %arg16: memref<64x64xf32, #tpu.memory_space<vmem>>, %arg17: memref<8x64xf32, #tpu.memory_space<vmem>>, %arg18: memref<64x64xf32, #tpu.memory_space<vmem>>, %arg19: memref<8x64xf32, #tpu.memory_space<vmem>>, %arg20: memref<256x64xf32, #tpu.memory_space<vmem>>, %arg21: memref<8x64xf32, #tpu.memory_space<vmem>>, %arg22: memref<64x64xf32, #tpu.memory_space<vmem>>, %arg23: memref<8x64xf32, #tpu.memory_space<vmem>>, %arg24: memref<64x6xf32, #tpu.memory_space<vmem>>, %arg25: memref<8x6xf32, #tpu.memory_space<vmem>>, %arg26: memref<1000x64xf32, #tpu.memory_space<vmem>>, %arg27: memref<8x64xf32, #tpu.memory_space<vmem>>, %arg28: memref<8x64xf32, #tpu.memory_space<vmem>>, %arg29: memref<8x64xf32, #tpu.memory_space<vmem>>, %arg30: memref<8x64xf32, #tpu.memory_space<vmem>>) attributes {dimension_semantics = [#tpu.dimension_semantics<arbitrary>], iteration_bounds = array<i64: 10>, scalar_prefetch = 0 : i64, scratch_operands = 0 : i64, tpu.core_type = #tpu.core_type<tc>, window_params = [{transform_indices = @transform_0, window_bounds = array<i64: 1000, 128>}, {transform_indices = @transform_1, window_bounds = array<i64: 1000, 64>}, {transform_indices = @transform_2, window_bounds = array<i64: 1000, 64>}, {transform_indices = @transform_3, window_bounds = array<i64: 1000, 8>}, {transform_indices = @transform_4, window_bounds = array<i64: 1000, 1>}, {pipeline_mode = #tpu.pipeline_mode<synchronous>, transform_indices = @transform_5, window_bounds = array<i64: 8, 16>}, {pipeline_mode = #tpu.pipeline_mode<synchronous>, transform_indices = @transform_6, window_bounds = array<i64: 128, 64>}, {pipeline_mode = #tpu.pipeline_mode<synchronous>, transform_indices = @transform_7, window_bounds = array<i64: 64, 64>}, {pipeline_mode = #tpu.pipeline_mode<synchronous>, transform_indices = @transform_8, window_bounds = array<i64: 64, 64>}, {pipeline_mode = #tpu.pipeline_mode<synchronous>, transform_indices = @transform_9, window_bounds = array<i64: 64, 64>}, {pipeline_mode = #tpu.pipeline_mode<synchronous>, transform_indices = @transform_10, window_bounds = array<i64: 16, 64>}, {pipeline_mode = #tpu.pipeline_mode<synchronous>, transform_indices = @transform_11, window_bounds = array<i64: 8, 64>}, {pipeline_mode = #tpu.pipeline_mode<synchronous>, transform_indices = @transform_12, window_bounds = array<i64: 64, 64>}, {pipeline_mode = #tpu.pipeline_mode<synchronous>, transform_indices = @transform_13, window_bounds = array<i64: 8, 64>}, {pipeline_mode = #tpu.pipeline_mode<synchronous>, transform_indices = @transform_14, window_bounds = array<i64: 16, 64>}, {pipeline_mode = #tpu.pipeline_mode<synchronous>, transform_indices = @transform_15, window_bounds = array<i64: 64, 64>}, {pipeline_mode = #tpu.pipeline_mode<synchronous>, transform_indices = @transform_16, window_bounds = array<i64: 8, 64>}, {pipeline_mode = #tpu.pipeline_mode<synchronous>, transform_indices = @transform_17, window_bounds = array<i64: 64, 64>}, {pipeline_mode = #tpu.pipeline_mode<synchronous>, transform_indices = @transform_18, window_bounds = array<i64: 8, 64>}, {pipeline_mode = #tpu.pipeline_mode<synchronous>, transform_indices = @transform_19, window_bounds = array<i64: 256, 64>}, {pipeline_mode = #tpu.pipeline_mode<synchronous>, transform_indices = @transform_20, window_bounds = array<i64: 8, 64>}, {pipeline_mode = #tpu.pipeline_mode<synchronous>, transform_indices = @transform_21, window_bounds = array<i64: 64, 64>}, {pipeline_mode = #tpu.pipeline_mode<synchronous>, transform_indices = @transform_22, window_bounds = array<i64: 8, 64>}, {pipeline_mode = #tpu.pipeline_mode<synchronous>, transform_indices = @transform_23, window_bounds = array<i64: 64, 6>}, {pipeline_mode = #tpu.pipeline_mode<synchronous>, transform_indices = @transform_24, window_bounds = array<i64: 8, 6>}, {transform_indices = @transform_25, window_bounds = array<i64: 1000, 64>}, {pipeline_mode = #tpu.pipeline_mode<synchronous>, transform_indices = @transform_26, window_bounds = array<i64: 8, 64>}, {pipeline_mode = #tpu.pipeline_mode<synchronous>, transform_indices = @transform_27, window_bounds = array<i64: 8, 64>}, {pipeline_mode = #tpu.pipeline_mode<synchronous>, transform_indices = @transform_28, window_bounds = array<i64: 8, 64>}, {pipeline_mode = #tpu.pipeline_mode<synchronous>, transform_indices = @transform_29, window_bounds = array<i64: 8, 64>}]} {
    %get3A = arith.constant 0 : index
    %get3A_0 = arith.constant 0 : index
    %get3A_1 = vector.load %arg1[%get3A, %get3A_0] : memref<1000x128xf32, #tpu.memory_space<vmem>>, vector<1000x128xf32>
    %get3A_2 = arith.constant 0 : index
    %get3A_3 = arith.constant 0 : index
    %get3A_4 = vector.load %arg2[%get3A_2, %get3A_3] : memref<1000x64xf32, #tpu.memory_space<vmem>>, vector<1000x64xf32>
    %get3A_5 = arith.constant 0 : index
    %get3A_6 = arith.constant 0 : index
    %get3A_7 = vector.load %arg3[%get3A_5, %get3A_6] : memref<1000x64xf32, #tpu.memory_space<vmem>>, vector<1000x64xf32>
    %is_finite3A = tpu.weird %get3A_7 : vector<1000x64xf32> -> vector<1000x64xi1>
    %is_finite3A_8 = arith.constant dense<true> : vector<1000x64xi1>
    %is_finite3A_9 = arith.xori %is_finite3A, %is_finite3A_8 : vector<1000x64xi1>
    %jit3A = arith.constant 0.000000e+00 : f32
    %broadcast_in_dim3A = vector.broadcast %jit3A : f32 to vector<1000x64xf32>
    %select_n3A = arith.select %is_finite3A_9, %get3A_7, %broadcast_in_dim3A : vector<1000x64xi1>, vector<1000x64xf32>
    %get3A_10 = arith.constant 0 : index
    %get3A_11 = arith.constant 0 : index
    %get3A_12 = vector.load %arg4[%get3A_10, %get3A_11] : memref<1000x8xf32, #tpu.memory_space<vmem>>, vector<1000x8xf32>
    %slice3A = vector.extract_strided_slice %get3A_12 {offsets = [0, 0], sizes = [1000, 1], strides = [1, 1]} : vector<1000x8xf32> to vector<1000x1xf32>
    %max3A = arith.constant 1.000000e+00 : f32
    %max3A_13 = vector.broadcast %max3A : f32 to vector<1000x1xf32>
    %max3A_14 = arith.maximumf %slice3A, %max3A_13 : vector<1000x1xf32>
    %div3A = vector.broadcast %max3A_14 : vector<1000x1xf32> to vector<1000x64xf32>
    %div3A_15 = arith.divf %get3A_4, %div3A : vector<1000x64xf32>
    %get3A_16 = arith.constant 0 : index
    %get3A_17 = arith.constant 0 : index
    %get3A_18 = vector.load %arg5[%get3A_16, %get3A_17] : memref<1000x1xi32, #tpu.memory_space<vmem>>, vector<1000x1xi32>
    %iota3A = tpu.iota {dimensions = array<i32: 1>} : vector<1x8xi32>
    %eq3A = vector.broadcast %get3A_18 : vector<1000x1xi32> to vector<1000x8xi32>
    %eq3A_19 = vector.broadcast %iota3A : vector<1x8xi32> to vector<1000x8xi32>
    %eq3A_20 = arith.cmpi eq, %eq3A, %eq3A_19 : vector<1000x8xi32>
    %convert_element_type3A = arith.extui %eq3A_20 : vector<1000x8xi1> to vector<1000x8xi32>
    %convert_element_type3A_21 = arith.sitofp %convert_element_type3A : vector<1000x8xi32> to vector<1000x8xf32>
    %get3A_22 = arith.constant 0 : index
    %get3A_23 = arith.constant 0 : index
    %get3A_24 = vector.load %arg6[%get3A_22, %get3A_23] : memref<8x16xf32, #tpu.memory_space<vmem>>, vector<8x16xf32>
    %get3A_25 = arith.constant 0 : index
    %get3A_26 = arith.constant 0 : index
    %get3A_27 = vector.load %arg11[%get3A_25, %get3A_26] : memref<16x64xf32, #tpu.memory_space<vmem>>, vector<16x64xf32>
    %dot_general3A = arith.constant dense<0.000000e+00> : vector<8x64xf32>
    %dot_general3A_28 = tpu.matmul %get3A_24, %get3A_27, %dot_general3A {dimension_numbers = #tpu.dot_dimension_numbers<[1], [0], [0], [1], [0, 0, 1, 1], [], []>, precision = #tpu.contract_precision<fp32>, transpose_lhs_hint = false} : vector<8x16xf32>, vector<16x64xf32>, vector<8x64xf32> -> vector<8x64xf32>
    %get3A_29 = arith.constant 0 : index
    %get3A_30 = arith.constant 0 : index
    %get3A_31 = vector.load %arg7[%get3A_29, %get3A_30] : memref<128x64xf32, #tpu.memory_space<vmem>>, vector<128x64xf32>
    %dot_general3A_32 = arith.constant dense<0.000000e+00> : vector<1000x64xf32>
    %dot_general3A_33 = tpu.matmul %get3A_1, %get3A_31, %dot_general3A_32 {dimension_numbers = #tpu.dot_dimension_numbers<[1], [0], [0], [1], [0, 0, 1, 1], [], []>, precision = #tpu.contract_precision<fp32>, transpose_lhs_hint = false} : vector<1000x128xf32>, vector<128x64xf32>, vector<1000x64xf32> -> vector<1000x64xf32>
    %get3A_34 = arith.constant 0 : index
    %get3A_35 = arith.constant 0 : index
    %get3A_36 = vector.load %arg8[%get3A_34, %get3A_35] : memref<64x64xf32, #tpu.memory_space<vmem>>, vector<64x64xf32>
    %dot_general3A_37 = arith.constant dense<0.000000e+00> : vector<1000x64xf32>
    %dot_general3A_38 = tpu.matmul %get3A_4, %get3A_36, %dot_general3A_37 {dimension_numbers = #tpu.dot_dimension_numbers<[1], [0], [0], [1], [0, 0, 1, 1], [], []>, precision = #tpu.contract_precision<fp32>, transpose_lhs_hint = false} : vector<1000x64xf32>, vector<64x64xf32>, vector<1000x64xf32> -> vector<1000x64xf32>
    %add3A = arith.addf %dot_general3A_33, %dot_general3A_38 : vector<1000x64xf32>
    %get3A_39 = arith.constant 0 : index
    %get3A_40 = arith.constant 0 : index
    %get3A_41 = vector.load %arg9[%get3A_39, %get3A_40] : memref<64x64xf32, #tpu.memory_space<vmem>>, vector<64x64xf32>
    %dot_general3A_42 = arith.constant dense<0.000000e+00> : vector<1000x64xf32>
    %dot_general3A_43 = tpu.matmul %select_n3A, %get3A_41, %dot_general3A_42 {dimension_numbers = #tpu.dot_dimension_numbers<[1], [0], [0], [1], [0, 0, 1, 1], [], []>, precision = #tpu.contract_precision<fp32>, transpose_lhs_hint = false} : vector<1000x64xf32>, vector<64x64xf32>, vector<1000x64xf32> -> vector<1000x64xf32>
    %add3A_44 = arith.addf %add3A, %dot_general3A_43 : vector<1000x64xf32>
    %get3A_45 = arith.constant 0 : index
    %get3A_46 = arith.constant 0 : index
    %get3A_47 = vector.load %arg10[%get3A_45, %get3A_46] : memref<64x64xf32, #tpu.memory_space<vmem>>, vector<64x64xf32>
    %dot_general3A_48 = arith.constant dense<0.000000e+00> : vector<1000x64xf32>
    %dot_general3A_49 = tpu.matmul %div3A_15, %get3A_47, %dot_general3A_48 {dimension_numbers = #tpu.dot_dimension_numbers<[1], [0], [0], [1], [0, 0, 1, 1], [], []>, precision = #tpu.contract_precision<fp32>, transpose_lhs_hint = false} : vector<1000x64xf32>, vector<64x64xf32>, vector<1000x64xf32> -> vector<1000x64xf32>
    %add3A_50 = arith.addf %add3A_44, %dot_general3A_49 : vector<1000x64xf32>
    %dot_general3A_51 = arith.constant dense<0.000000e+00> : vector<1000x64xf32>
    %dot_general3A_52 = tpu.matmul %convert_element_type3A_21, %dot_general3A_28, %dot_general3A_51 {dimension_numbers = #tpu.dot_dimension_numbers<[1], [0], [0], [1], [0, 0, 1, 1], [], []>, precision = #tpu.contract_precision<fp32>, transpose_lhs_hint = false} : vector<1000x8xf32>, vector<8x64xf32>, vector<1000x64xf32> -> vector<1000x64xf32>
    %add3A_53 = arith.addf %add3A_50, %dot_general3A_52 : vector<1000x64xf32>
    %get3A_54 = arith.constant 0 : index
    %get3A_55 = arith.constant 0 : index
    %get3A_56 = vector.load %arg12[%get3A_54, %get3A_55] : memref<8x64xf32, #tpu.memory_space<vmem>>, vector<8x64xf32>
    %slice3A_57 = vector.extract_strided_slice %get3A_56 {offsets = [0, 0], sizes = [1, 64], strides = [1, 1]} : vector<8x64xf32> to vector<1x64xf32>
    %add3A_58 = vector.broadcast %slice3A_57 : vector<1x64xf32> to vector<1000x64xf32>
    %add3A_59 = arith.addf %add3A_53, %add3A_58 : vector<1000x64xf32>
    %max3A_60 = arith.constant 0.000000e+00 : f32
    %max3A_61 = vector.broadcast %max3A_60 : f32 to vector<1000x64xf32>
    %max3A_62 = arith.maximumf %add3A_59, %max3A_61 : vector<1000x64xf32>
    %get3A_63 = arith.constant 0 : index
    %get3A_64 = arith.constant 0 : index
    %get3A_65 = vector.load %arg13[%get3A_63, %get3A_64] : memref<64x64xf32, #tpu.memory_space<vmem>>, vector<64x64xf32>
    %dot_general3A_66 = arith.constant dense<0.000000e+00> : vector<1000x64xf32>
    %dot_general3A_67 = tpu.matmul %max3A_62, %get3A_65, %dot_general3A_66 {dimension_numbers = #tpu.dot_dimension_numbers<[1], [0], [0], [1], [0, 0, 1, 1], [], []>, precision = #tpu.contract_precision<fp32>, transpose_lhs_hint = false} : vector<1000x64xf32>, vector<64x64xf32>, vector<1000x64xf32> -> vector<1000x64xf32>
    %get3A_68 = arith.constant 0 : index
    %get3A_69 = arith.constant 0 : index
    %get3A_70 = vector.load %arg14[%get3A_68, %get3A_69] : memref<8x64xf32, #tpu.memory_space<vmem>>, vector<8x64xf32>
    %slice3A_71 = vector.extract_strided_slice %get3A_70 {offsets = [0, 0], sizes = [1, 64], strides = [1, 1]} : vector<8x64xf32> to vector<1x64xf32>
    %add3A_72 = vector.broadcast %slice3A_71 : vector<1x64xf32> to vector<1000x64xf32>
    %add3A_73 = arith.addf %dot_general3A_67, %add3A_72 : vector<1000x64xf32>
    %swap3A = arith.constant 0 : index
    %swap3A_74 = arith.constant 0 : index
    %swap3A_75 = vector.load %arg26[%swap3A, %swap3A_74] : memref<1000x64xf32, #tpu.memory_space<vmem>>, vector<1000x64xf32>
    tpu.vector_store %arg26[%swap3A, %swap3A_74], %add3A_73 {strides = array<i32>} : memref<1000x64xf32, #tpu.memory_space<vmem>>, vector<1000x64xf32>,
    %dot_general3A_76 = arith.constant dense<0.000000e+00> : vector<8x64xf32>
    %dot_general3A_77 = tpu.matmul %convert_element_type3A_21, %add3A_73, %dot_general3A_76 {dimension_numbers = #tpu.dot_dimension_numbers<[0], [0], [1], [1], [0, 1, 1, 1], [], []>, precision = #tpu.contract_precision<fp32>, transpose_lhs_hint = false} : vector<1000x8xf32>, vector<1000x64xf32>, vector<8x64xf32> -> vector<8x64xf32>
    %eq3A_78 = arith.constant 0 : i32
    %eq3A_79 = vector.broadcast %eq3A_78 : i32 to vector<1000x1xi32>
    %eq3A_80 = arith.cmpi eq, %get3A_18, %eq3A_79 : vector<1000x1xi32>
    %jit3A_81 = arith.constant 0xFF800000 : f32
    %broadcast_in_dim3A_82 = vector.shape_cast %eq3A_80 : vector<1000x1xi1> to vector<1000x1xi1>
    %broadcast_in_dim3A_83 = vector.broadcast %broadcast_in_dim3A_82 : vector<1000x1xi1> to vector<1000x64xi1>
    %broadcast_in_dim3A_84 = vector.broadcast %jit3A_81 : f32 to vector<1000x64xf32>
    %select_n3A_85 = arith.select %broadcast_in_dim3A_83, %add3A_73, %broadcast_in_dim3A_84 : vector<1000x64xi1>, vector<1000x64xf32>
    %reduce_max3A = arith.constant dense<0xFF800000> : vector<64xf32>
    %reduce_max3A_86 = vector.multi_reduction <maximumf>, %select_n3A_85, %reduce_max3A [0] : vector<1000x64xf32> to vector<64xf32>
    %broadcast_in_dim3A_87 = vector.shape_cast %reduce_max3A_86 : vector<64xf32> to vector<1x64xf32>
    %eq3A_88 = arith.constant 1 : i32
    %eq3A_89 = vector.broadcast %eq3A_88 : i32 to vector<1000x1xi32>
    %eq3A_90 = arith.cmpi eq, %get3A_18, %eq3A_89 : vector<1000x1xi32>
    %jit3A_91 = arith.constant 0xFF800000 : f32
    %broadcast_in_dim3A_92 = vector.shape_cast %eq3A_90 : vector<1000x1xi1> to vector<1000x1xi1>
    %broadcast_in_dim3A_93 = vector.broadcast %broadcast_in_dim3A_92 : vector<1000x1xi1> to vector<1000x64xi1>
    %broadcast_in_dim3A_94 = vector.broadcast %jit3A_91 : f32 to vector<1000x64xf32>
    %select_n3A_95 = arith.select %broadcast_in_dim3A_93, %add3A_73, %broadcast_in_dim3A_94 : vector<1000x64xi1>, vector<1000x64xf32>
    %reduce_max3A_96 = arith.constant dense<0xFF800000> : vector<64xf32>
    %reduce_max3A_97 = vector.multi_reduction <maximumf>, %select_n3A_95, %reduce_max3A_96 [0] : vector<1000x64xf32> to vector<64xf32>
    %broadcast_in_dim3A_98 = vector.shape_cast %reduce_max3A_97 : vector<64xf32> to vector<1x64xf32>
    %eq3A_99 = arith.constant 2 : i32
    %eq3A_100 = vector.broadcast %eq3A_99 : i32 to vector<1000x1xi32>
    %eq3A_101 = arith.cmpi eq, %get3A_18, %eq3A_100 : vector<1000x1xi32>
    %jit3A_102 = arith.constant 0xFF800000 : f32
    %broadcast_in_dim3A_103 = vector.shape_cast %eq3A_101 : vector<1000x1xi1> to vector<1000x1xi1>
    %broadcast_in_dim3A_104 = vector.broadcast %broadcast_in_dim3A_103 : vector<1000x1xi1> to vector<1000x64xi1>
    %broadcast_in_dim3A_105 = vector.broadcast %jit3A_102 : f32 to vector<1000x64xf32>
    %select_n3A_106 = arith.select %broadcast_in_dim3A_104, %add3A_73, %broadcast_in_dim3A_105 : vector<1000x64xi1>, vector<1000x64xf32>
    %reduce_max3A_107 = arith.constant dense<0xFF800000> : vector<64xf32>
    %reduce_max3A_108 = vector.multi_reduction <maximumf>, %select_n3A_106, %reduce_max3A_107 [0] : vector<1000x64xf32> to vector<64xf32>
    %broadcast_in_dim3A_109 = vector.shape_cast %reduce_max3A_108 : vector<64xf32> to vector<1x64xf32>
    %eq3A_110 = arith.constant 3 : i32
    %eq3A_111 = vector.broadcast %eq3A_110 : i32 to vector<1000x1xi32>
    %eq3A_112 = arith.cmpi eq, %get3A_18, %eq3A_111 : vector<1000x1xi32>
    %jit3A_113 = arith.constant 0xFF800000 : f32
    %broadcast_in_dim3A_114 = vector.shape_cast %eq3A_112 : vector<1000x1xi1> to vector<1000x1xi1>
    %broadcast_in_dim3A_115 = vector.broadcast %broadcast_in_dim3A_114 : vector<1000x1xi1> to vector<1000x64xi1>
    %broadcast_in_dim3A_116 = vector.broadcast %jit3A_113 : f32 to vector<1000x64xf32>
    %select_n3A_117 = arith.select %broadcast_in_dim3A_115, %add3A_73, %broadcast_in_dim3A_116 : vector<1000x64xi1>, vector<1000x64xf32>
    %reduce_max3A_118 = arith.constant dense<0xFF800000> : vector<64xf32>
    %reduce_max3A_119 = vector.multi_reduction <maximumf>, %select_n3A_117, %reduce_max3A_118 [0] : vector<1000x64xf32> to vector<64xf32>
    %broadcast_in_dim3A_120 = vector.shape_cast %reduce_max3A_119 : vector<64xf32> to vector<1x64xf32>
    %eq3A_121 = arith.constant 4 : i32
    %eq3A_122 = vector.broadcast %eq3A_121 : i32 to vector<1000x1xi32>
    %eq3A_123 = arith.cmpi eq, %get3A_18, %eq3A_122 : vector<1000x1xi32>
    %jit3A_124 = arith.constant 0xFF800000 : f32
    %broadcast_in_dim3A_125 = vector.shape_cast %eq3A_123 : vector<1000x1xi1> to vector<1000x1xi1>
    %broadcast_in_dim3A_126 = vector.broadcast %broadcast_in_dim3A_125 : vector<1000x1xi1> to vector<1000x64xi1>
    %broadcast_in_dim3A_127 = vector.broadcast %jit3A_124 : f32 to vector<1000x64xf32>
    %select_n3A_128 = arith.select %broadcast_in_dim3A_126, %add3A_73, %broadcast_in_dim3A_127 : vector<1000x64xi1>, vector<1000x64xf32>
    %reduce_max3A_129 = arith.constant dense<0xFF800000> : vector<64xf32>
    %reduce_max3A_130 = vector.multi_reduction <maximumf>, %select_n3A_128, %reduce_max3A_129 [0] : vector<1000x64xf32> to vector<64xf32>
    %broadcast_in_dim3A_131 = vector.shape_cast %reduce_max3A_130 : vector<64xf32> to vector<1x64xf32>
    %eq3A_132 = arith.constant 5 : i32
    %eq3A_133 = vector.broadcast %eq3A_132 : i32 to vector<1000x1xi32>
    %eq3A_134 = arith.cmpi eq, %get3A_18, %eq3A_133 : vector<1000x1xi32>
    %jit3A_135 = arith.constant 0xFF800000 : f32
    %broadcast_in_dim3A_136 = vector.shape_cast %eq3A_134 : vector<1000x1xi1> to vector<1000x1xi1>
    %broadcast_in_dim3A_137 = vector.broadcast %broadcast_in_dim3A_136 : vector<1000x1xi1> to vector<1000x64xi1>
    %broadcast_in_dim3A_138 = vector.broadcast %jit3A_135 : f32 to vector<1000x64xf32>
    %select_n3A_139 = arith.select %broadcast_in_dim3A_137, %add3A_73, %broadcast_in_dim3A_138 : vector<1000x64xi1>, vector<1000x64xf32>
    %reduce_max3A_140 = arith.constant dense<0xFF800000> : vector<64xf32>
    %reduce_max3A_141 = vector.multi_reduction <maximumf>, %select_n3A_139, %reduce_max3A_140 [0] : vector<1000x64xf32> to vector<64xf32>
    %broadcast_in_dim3A_142 = vector.shape_cast %reduce_max3A_141 : vector<64xf32> to vector<1x64xf32>
    %eq3A_143 = arith.constant 6 : i32
    %eq3A_144 = vector.broadcast %eq3A_143 : i32 to vector<1000x1xi32>
    %eq3A_145 = arith.cmpi eq, %get3A_18, %eq3A_144 : vector<1000x1xi32>
    %jit3A_146 = arith.constant 0xFF800000 : f32
    %broadcast_in_dim3A_147 = vector.shape_cast %eq3A_145 : vector<1000x1xi1> to vector<1000x1xi1>
    %broadcast_in_dim3A_148 = vector.broadcast %broadcast_in_dim3A_147 : vector<1000x1xi1> to vector<1000x64xi1>
    %broadcast_in_dim3A_149 = vector.broadcast %jit3A_146 : f32 to vector<1000x64xf32>
    %select_n3A_150 = arith.select %broadcast_in_dim3A_148, %add3A_73, %broadcast_in_dim3A_149 : vector<1000x64xi1>, vector<1000x64xf32>
    %reduce_max3A_151 = arith.constant dense<0xFF800000> : vector<64xf32>
    %reduce_max3A_152 = vector.multi_reduction <maximumf>, %select_n3A_150, %reduce_max3A_151 [0] : vector<1000x64xf32> to vector<64xf32>
    %broadcast_in_dim3A_153 = vector.shape_cast %reduce_max3A_152 : vector<64xf32> to vector<1x64xf32>
    %eq3A_154 = arith.constant 7 : i32
    %eq3A_155 = vector.broadcast %eq3A_154 : i32 to vector<1000x1xi32>
    %eq3A_156 = arith.cmpi eq, %get3A_18, %eq3A_155 : vector<1000x1xi32>
    %jit3A_157 = arith.constant 0xFF800000 : f32
    %broadcast_in_dim3A_158 = vector.shape_cast %eq3A_156 : vector<1000x1xi1> to vector<1000x1xi1>
    %broadcast_in_dim3A_159 = vector.broadcast %broadcast_in_dim3A_158 : vector<1000x1xi1> to vector<1000x64xi1>
    %broadcast_in_dim3A_160 = vector.broadcast %jit3A_157 : f32 to vector<1000x64xf32>
    %select_n3A_161 = arith.select %broadcast_in_dim3A_159, %add3A_73, %broadcast_in_dim3A_160 : vector<1000x64xi1>, vector<1000x64xf32>
    %reduce_max3A_162 = arith.constant dense<0xFF800000> : vector<64xf32>
    %reduce_max3A_163 = vector.multi_reduction <maximumf>, %select_n3A_161, %reduce_max3A_162 [0] : vector<1000x64xf32> to vector<64xf32>
    %broadcast_in_dim3A_164 = vector.shape_cast %reduce_max3A_163 : vector<64xf32> to vector<1x64xf32>
    %concatenate3A = tpu.concatenate %broadcast_in_dim3A_87, %broadcast_in_dim3A_98, %broadcast_in_dim3A_109, %broadcast_in_dim3A_120, %broadcast_in_dim3A_131, %broadcast_in_dim3A_142, %broadcast_in_dim3A_153, %broadcast_in_dim3A_164 in 0 : vector<1x64xf32>, vector<1x64xf32>, vector<1x64xf32>, vector<1x64xf32>, vector<1x64xf32>, vector<1x64xf32>, vector<1x64xf32>, vector<1x64xf32> -> vector<8x64xf32>
    %reduce_sum3A = arith.constant dense<0.000000e+00> : vector<8xf32>
    %reduce_sum3A_165 = vector.multi_reduction <add>, %convert_element_type3A_21, %reduce_sum3A [0] : vector<1000x8xf32> to vector<8xf32>
    %broadcast_in_dim3A_166 = vector.shape_cast %reduce_sum3A_165 : vector<8xf32> to vector<8x1xf32>
    %broadcast_in_dim3A_167 = vector.shape_cast %broadcast_in_dim3A_166 : vector<8x1xf32> to vector<8x1xf32>
    %broadcast_in_dim3A_168 = vector.broadcast %broadcast_in_dim3A_167 : vector<8x1xf32> to vector<8x64xf32>
    %eq3A_169 = arith.constant 0 : i32
    %eq3A_170 = arith.cmpi eq, %arg0, %eq3A_169 : i32
    %convert_element_type3A_171 = arith.extui %eq3A_170 : i1 to i32
    %cond3A = arith.constant 0 : i32
    %cond3A_172 = arith.cmpi ne, %convert_element_type3A_171, %cond3A : i32
    scf.if %cond3A_172 {
      %swap3A_182 = arith.constant 0 : index
      %swap3A_183 = arith.constant 0 : index
      %swap3A_184 = vector.load %arg27[%swap3A_182, %swap3A_183] : memref<8x64xf32, #tpu.memory_space<vmem>>, vector<8x64xf32>
      tpu.vector_store %arg27[%swap3A_182, %swap3A_183], %dot_general3A_77 {strides = array<i32>} : memref<8x64xf32, #tpu.memory_space<vmem>>, vector<8x64xf32>,
      %swap3A_185 = arith.constant 0 : index
      %swap3A_186 = arith.constant 0 : index
      %swap3A_187 = vector.load %arg28[%swap3A_185, %swap3A_186] : memref<8x64xf32, #tpu.memory_space<vmem>>, vector<8x64xf32>
      tpu.vector_store %arg28[%swap3A_185, %swap3A_186], %concatenate3A {strides = array<i32>} : memref<8x64xf32, #tpu.memory_space<vmem>>, vector<8x64xf32>,
      %swap3A_188 = arith.constant 0 : index
      %swap3A_189 = arith.constant 0 : index
      %swap3A_190 = vector.load %arg29[%swap3A_188, %swap3A_189] : memref<8x64xf32, #tpu.memory_space<vmem>>, vector<8x64xf32>
      tpu.vector_store %arg29[%swap3A_188, %swap3A_189], %broadcast_in_dim3A_168 {strides = array<i32>} : memref<8x64xf32, #tpu.memory_space<vmem>>, vector<8x64xf32>,
    } else {
    }
    %gt3A = arith.constant 0 : i32
    %gt3A_173 = arith.cmpi sgt, %arg0, %gt3A : i32
    %convert_element_type3A_174 = arith.extui %gt3A_173 : i1 to i32
    %cond3A_175 = arith.constant 0 : i32
    %cond3A_176 = arith.cmpi ne, %convert_element_type3A_174, %cond3A_175 : i32
    scf.if %cond3A_176 {
      %get3A_182 = arith.constant 0 : index
      %get3A_183 = arith.constant 0 : index
      %get3A_184 = vector.load %arg27[%get3A_182, %get3A_183] : memref<8x64xf32, #tpu.memory_space<vmem>>, vector<8x64xf32>
      %add3A_185 = arith.addf %get3A_184, %dot_general3A_77 : vector<8x64xf32>
      %swap3A_186 = arith.constant 0 : index
      %swap3A_187 = arith.constant 0 : index
      %swap3A_188 = vector.load %arg27[%swap3A_186, %swap3A_187] : memref<8x64xf32, #tpu.memory_space<vmem>>, vector<8x64xf32>
      tpu.vector_store %arg27[%swap3A_186, %swap3A_187], %add3A_185 {strides = array<i32>} : memref<8x64xf32, #tpu.memory_space<vmem>>, vector<8x64xf32>,
      %get3A_189 = arith.constant 0 : index
      %get3A_190 = arith.constant 0 : index
      %get3A_191 = vector.load %arg28[%get3A_189, %get3A_190] : memref<8x64xf32, #tpu.memory_space<vmem>>, vector<8x64xf32>
      %max3A_192 = arith.maximumf %get3A_191, %concatenate3A : vector<8x64xf32>
      %swap3A_193 = arith.constant 0 : index
      %swap3A_194 = arith.constant 0 : index
      %swap3A_195 = vector.load %arg28[%swap3A_193, %swap3A_194] : memref<8x64xf32, #tpu.memory_space<vmem>>, vector<8x64xf32>
      tpu.vector_store %arg28[%swap3A_193, %swap3A_194], %max3A_192 {strides = array<i32>} : memref<8x64xf32, #tpu.memory_space<vmem>>, vector<8x64xf32>,
      %get3A_196 = arith.constant 0 : index
      %get3A_197 = arith.constant 0 : index
      %get3A_198 = vector.load %arg29[%get3A_196, %get3A_197] : memref<8x64xf32, #tpu.memory_space<vmem>>, vector<8x64xf32>
      %add3A_199 = arith.addf %get3A_198, %broadcast_in_dim3A_168 : vector<8x64xf32>
      %swap3A_200 = arith.constant 0 : index
      %swap3A_201 = arith.constant 0 : index
      %swap3A_202 = vector.load %arg29[%swap3A_200, %swap3A_201] : memref<8x64xf32, #tpu.memory_space<vmem>>, vector<8x64xf32>
      tpu.vector_store %arg29[%swap3A_200, %swap3A_201], %add3A_199 {strides = array<i32>} : memref<8x64xf32, #tpu.memory_space<vmem>>, vector<8x64xf32>,
    } else {
    }
    %eq3A_177 = arith.constant 9 : i32
    %eq3A_178 = arith.cmpi eq, %arg0, %eq3A_177 : i32
    %convert_element_type3A_179 = arith.extui %eq3A_178 : i1 to i32
    %cond3A_180 = arith.constant 0 : i32
    %cond3A_181 = arith.cmpi ne, %convert_element_type3A_179, %cond3A_180 : i32
    scf.if %cond3A_181 {
      %get3A_182 = arith.constant 0 : index
      %get3A_183 = arith.constant 0 : index
      %get3A_184 = vector.load %arg27[%get3A_182, %get3A_183] : memref<8x64xf32, #tpu.memory_space<vmem>>, vector<8x64xf32>
      %get3A_185 = arith.constant 0 : index
      %get3A_186 = arith.constant 0 : index
      %get3A_187 = vector.load %arg29[%get3A_185, %get3A_186] : memref<8x64xf32, #tpu.memory_space<vmem>>, vector<8x64xf32>
      %slice3A_188 = vector.extract_strided_slice %get3A_187 {offsets = [0, 0], sizes = [8, 1], strides = [1, 1]} : vector<8x64xf32> to vector<8x1xf32>
      %max3A_189 = arith.constant 1.000000e+00 : f32
      %max3A_190 = vector.broadcast %max3A_189 : f32 to vector<8x1xf32>
      %max3A_191 = arith.maximumf %slice3A_188, %max3A_190 : vector<8x1xf32>
      %div3A_192 = vector.broadcast %max3A_191 : vector<8x1xf32> to vector<8x64xf32>
      %div3A_193 = arith.divf %get3A_184, %div3A_192 : vector<8x64xf32>
      %get3A_194 = arith.constant 0 : index
      %get3A_195 = arith.constant 0 : index
      %get3A_196 = vector.load %arg15[%get3A_194, %get3A_195] : memref<16x64xf32, #tpu.memory_space<vmem>>, vector<16x64xf32>
      %dot_general3A_197 = arith.constant dense<0.000000e+00> : vector<8x64xf32>
      %dot_general3A_198 = tpu.matmul %get3A_24, %get3A_196, %dot_general3A_197 {dimension_numbers = #tpu.dot_dimension_numbers<[1], [0], [0], [1], [0, 0, 1, 1], [], []>, precision = #tpu.contract_precision<fp32>, transpose_lhs_hint = false} : vector<8x16xf32>, vector<16x64xf32>, vector<8x64xf32> -> vector<8x64xf32>
      %get3A_199 = arith.constant 0 : index
      %get3A_200 = arith.constant 0 : index
      %get3A_201 = vector.load %arg16[%get3A_199, %get3A_200] : memref<64x64xf32, #tpu.memory_space<vmem>>, vector<64x64xf32>
      %dot_general3A_202 = arith.constant dense<0.000000e+00> : vector<8x64xf32>
      %dot_general3A_203 = tpu.matmul %div3A_193, %get3A_201, %dot_general3A_202 {dimension_numbers = #tpu.dot_dimension_numbers<[1], [0], [0], [1], [0, 0, 1, 1], [], []>, precision = #tpu.contract_precision<fp32>, transpose_lhs_hint = false} : vector<8x64xf32>, vector<64x64xf32>, vector<8x64xf32> -> vector<8x64xf32>
      %add3A_204 = arith.addf %dot_general3A_198, %dot_general3A_203 : vector<8x64xf32>
      %get3A_205 = arith.constant 0 : index
      %get3A_206 = arith.constant 0 : index
      %get3A_207 = vector.load %arg17[%get3A_205, %get3A_206] : memref<8x64xf32, #tpu.memory_space<vmem>>, vector<8x64xf32>
      %slice3A_208 = vector.extract_strided_slice %get3A_207 {offsets = [0, 0], sizes = [1, 64], strides = [1, 1]} : vector<8x64xf32> to vector<1x64xf32>
      %add3A_209 = vector.broadcast %slice3A_208 : vector<1x64xf32> to vector<8x64xf32>
      %add3A_210 = arith.addf %add3A_204, %add3A_209 : vector<8x64xf32>
      %max3A_211 = arith.constant 0.000000e+00 : f32
      %max3A_212 = vector.broadcast %max3A_211 : f32 to vector<8x64xf32>
      %max3A_213 = arith.maximumf %add3A_210, %max3A_212 : vector<8x64xf32>
      %get3A_214 = arith.constant 0 : index
      %get3A_215 = arith.constant 0 : index
      %get3A_216 = vector.load %arg18[%get3A_214, %get3A_215] : memref<64x64xf32, #tpu.memory_space<vmem>>, vector<64x64xf32>
      %dot_general3A_217 = arith.constant dense<0.000000e+00> : vector<8x64xf32>
      %dot_general3A_218 = tpu.matmul %max3A_213, %get3A_216, %dot_general3A_217 {dimension_numbers = #tpu.dot_dimension_numbers<[1], [0], [0], [1], [0, 0, 1, 1], [], []>, precision = #tpu.contract_precision<fp32>, transpose_lhs_hint = false} : vector<8x64xf32>, vector<64x64xf32>, vector<8x64xf32> -> vector<8x64xf32>
      %get3A_219 = arith.constant 0 : index
      %get3A_220 = arith.constant 0 : index
      %get3A_221 = vector.load %arg19[%get3A_219, %get3A_220] : memref<8x64xf32, #tpu.memory_space<vmem>>, vector<8x64xf32>
      %slice3A_222 = vector.extract_strided_slice %get3A_221 {offsets = [0, 0], sizes = [1, 64], strides = [1, 1]} : vector<8x64xf32> to vector<1x64xf32>
      %add3A_223 = vector.broadcast %slice3A_222 : vector<1x64xf32> to vector<8x64xf32>
      %add3A_224 = arith.addf %dot_general3A_218, %add3A_223 : vector<8x64xf32>
      %swap3A_225 = arith.constant 0 : index
      %swap3A_226 = arith.constant 0 : index
      %swap3A_227 = vector.load %arg30[%swap3A_225, %swap3A_226] : memref<8x64xf32, #tpu.memory_space<vmem>>, vector<8x64xf32>
      tpu.vector_store %arg30[%swap3A_225, %swap3A_226], %add3A_224 {strides = array<i32>} : memref<8x64xf32, #tpu.memory_space<vmem>>, vector<8x64xf32>,
    } else {
    }
    return
  }
  func.func @transform_0(%arg0: i32) -> (i32, i32) {
    %c0_i32 = arith.constant 0 : i32
    %c0_i32_0 = arith.constant 0 : i32
    return %arg0, %c0_i32 : i32, i32
  }
  func.func @transform_1(%arg0: i32) -> (i32, i32) {
    %c0_i32 = arith.constant 0 : i32
    %c0_i32_0 = arith.constant 0 : i32
    return %arg0, %c0_i32 : i32, i32
  }
  func.func @transform_2(%arg0: i32) -> (i32, i32) {
    %c0_i32 = arith.constant 0 : i32
    %c0_i32_0 = arith.constant 0 : i32
    return %arg0, %c0_i32 : i32, i32
  }
  func.func @transform_3(%arg0: i32) -> (i32, i32) {
    %c0_i32 = arith.constant 0 : i32
    %c0_i32_0 = arith.constant 0 : i32
    return %arg0, %c0_i32 : i32, i32
  }
  func.func @transform_4(%arg0: i32) -> (i32, i32) {
    %c0_i32 = arith.constant 0 : i32
    %c0_i32_0 = arith.constant 0 : i32
    return %arg0, %c0_i32 : i32, i32
  }
  func.func @transform_5(%arg0: i32) -> (i32, i32) {
    %c0_i32 = arith.constant 0 : i32
    %c0_i32_0 = arith.constant 0 : i32
    %c0_i32_1 = arith.constant 0 : i32
    return %c0_i32, %c0_i32_0 : i32, i32
  }
  func.func @transform_6(%arg0: i32) -> (i32, i32) {
    %c0_i32 = arith.constant 0 : i32
    %c0_i32_0 = arith.constant 0 : i32
    %c0_i32_1 = arith.constant 0 : i32
    return %c0_i32, %c0_i32_0 : i32, i32
  }
  func.func @transform_7(%arg0: i32) -> (i32, i32) {
    %c0_i32 = arith.constant 0 : i32
    %c0_i32_0 = arith.constant 0 : i32
    %c0_i32_1 = arith.constant 0 : i32
    return %c0_i32, %c0_i32_0 : i32, i32
  }
  func.func @transform_8(%arg0: i32) -> (i32, i32) {
    %c0_i32 = arith.constant 0 : i32
    %c0_i32_0 = arith.constant 0 : i32
    %c0_i32_1 = arith.constant 0 : i32
    return %c0_i32, %c0_i32_0 : i32, i32
  }
  func.func @transform_9(%arg0: i32) -> (i32, i32) {
    %c0_i32 = arith.constant 0 : i32
    %c0_i32_0 = arith.constant 0 : i32
    %c0_i32_1 = arith.constant 0 : i32
    return %c0_i32, %c0_i32_0 : i32, i32
  }
  func.func @transform_10(%arg0: i32) -> (i32, i32) {
    %c0_i32 = arith.constant 0 : i32
    %c0_i32_0 = arith.constant 0 : i32
    %c0_i32_1 = arith.constant 0 : i32
    return %c0_i32, %c0_i32_0 : i32, i32
  }
  func.func @transform_11(%arg0: i32) -> (i32, i32) {
    %c0_i32 = arith.constant 0 : i32
    %c0_i32_0 = arith.constant 0 : i32
    %c0_i32_1 = arith.constant 0 : i32
    return %c0_i32, %c0_i32_0 : i32, i32
  }
  func.func @transform_12(%arg0: i32) -> (i32, i32) {
    %c0_i32 = arith.constant 0 : i32
    %c0_i32_0 = arith.constant 0 : i32
    %c0_i32_1 = arith.constant 0 : i32
    return %c0_i32, %c0_i32_0 : i32, i32
  }
  func.func @transform_13(%arg0: i32) -> (i32, i32) {
    %c0_i32 = arith.constant 0 : i32
    %c0_i32_0 = arith.constant 0 : i32
    %c0_i32_1 = arith.constant 0 : i32
    return %c0_i32, %c0_i32_0 : i32, i32
  }
  func.func @transform_14(%arg0: i32) -> (i32, i32) {
    %c0_i32 = arith.constant 0 : i32
    %c0_i32_0 = arith.constant 0 : i32
    %c0_i32_1 = arith.constant 0 : i32
    return %c0_i32, %c0_i32_0 : i32, i32
  }
  func.func @transform_15(%arg0: i32) -> (i32, i32) {
    %c0_i32 = arith.constant 0 : i32
    %c0_i32_0 = arith.constant 0 : i32
    %c0_i32_1 = arith.constant 0 : i32
    return %c0_i32, %c0_i32_0 : i32, i32
  }
  func.func @transform_16(%arg0: i32) -> (i32, i32) {
    %c0_i32 = arith.constant 0 : i32
    %c0_i32_0 = arith.constant 0 : i32
    %c0_i32_1 = arith.constant 0 : i32
    return %c0_i32, %c0_i32_0 : i32, i32
  }
  func.func @transform_17(%arg0: i32) -> (i32, i32) {
    %c0_i32 = arith.constant 0 : i32
    %c0_i32_0 = arith.constant 0 : i32
    %c0_i32_1 = arith.constant 0 : i32
    return %c0_i32, %c0_i32_0 : i32, i32
  }
  func.func @transform_18(%arg0: i32) -> (i32, i32) {
    %c0_i32 = arith.constant 0 : i32
    %c0_i32_0 = arith.constant 0 : i32
    %c0_i32_1 = arith.constant 0 : i32
    return %c0_i32, %c0_i32_0 : i32, i32
  }
  func.func @transform_19(%arg0: i32) -> (i32, i32) {
    %c0_i32 = arith.constant 0 : i32
    %c0_i32_0 = arith.constant 0 : i32
    %c0_i32_1 = arith.constant 0 : i32
    return %c0_i32, %c0_i32_0 : i32, i32
  }
  func.func @transform_20(%arg0: i32) -> (i32, i32) {
    %c0_i32 = arith.constant 0 : i32
    %c0_i32_0 = arith.constant 0 : i32
    %c0_i32_1 = arith.constant 0 : i32
    return %c0_i32, %c0_i32_0 : i32, i32
  }
  func.func @transform_21(%arg0: i32) -> (i32, i32) {
    %c0_i32 = arith.constant 0 : i32
    %c0_i32_0 = arith.constant 0 : i32
    %c0_i32_1 = arith.constant 0 : i32
    return %c0_i32, %c0_i32_0 : i32, i32
  }
  func.func @transform_22(%arg0: i32) -> (i32, i32) {
    %c0_i32 = arith.constant 0 : i32
    %c0_i32_0 = arith.constant 0 : i32
    %c0_i32_1 = arith.constant 0 : i32
    return %c0_i32, %c0_i32_0 : i32, i32
  }
  func.func @transform_23(%arg0: i32) -> (i32, i32) {
    %c0_i32 = arith.constant 0 : i32
    %c0_i32_0 = arith.constant 0 : i32
    %c0_i32_1 = arith.constant 0 : i32
    return %c0_i32, %c0_i32_0 : i32, i32
  }
  func.func @transform_24(%arg0: i32) -> (i32, i32) {
    %c0_i32 = arith.constant 0 : i32
    %c0_i32_0 = arith.constant 0 : i32
    %c0_i32_1 = arith.constant 0 : i32
    return %c0_i32, %c0_i32_0 : i32, i32
  }
  func.func @transform_25(%arg0: i32) -> (i32, i32) {
    %c0_i32 = arith.constant 0 : i32
    %c0_i32_0 = arith.constant 0 : i32
    return %arg0, %c0_i32 : i32, i32
  }
  func.func @transform_26(%arg0: i32) -> (i32, i32) {
    %c0_i32 = arith.constant 0 : i32
    %c0_i32_0 = arith.constant 0 : i32
    %c0_i32_1 = arith.constant 0 : i32
    return %c0_i32, %c0_i32_0 : i32, i32
  }
  func.func @transform_27(%arg0: i32) -> (i32, i32) {
    %c0_i32 = arith.constant 0 : i32
    %c0_i32_0 = arith.constant 0 : i32
    %c0_i32_1 = arith.constant 0 : i32
    return %c0_i32, %c0_i32_0 : i32, i32
  }
  func.func @transform_28(%arg0: i32) -> (i32, i32) {
    %c0_i32 = arith.constant 0 : i32
    %c0_i32_0 = arith.constant 0 : i32
    %c0_i32_1 = arith.constant 0 : i32
    return %c0_i32, %c0_i32_0 : i32, i32
  }
  func.func @transform_29(%arg0: i32) -> (i32, i32) {
    %c0_i32 = arith.constant 0 : i32
    %c0_i32_0 = arith.constant 0 : i32
    %c0_i32_1 = arith.constant 0 : i32
    return %c0_i32, %c0_i32_0 : i32, i32
  }
}

module attributes {stable_mosaic.version = 14 : i64} {
  func.func @_proj_body(%arg0: i32, %arg1: memref<1000x64xf32, #tpu.memory_space<vmem>>, %arg2: memref<1000x1xi32, #tpu.memory_space<vmem>>, %arg3: memref<8x64xf32, #tpu.memory_space<vmem>>, %arg4: memref<64x64xf32, #tpu.memory_space<vmem>>, %arg5: memref<64x64xf32, #tpu.memory_space<vmem>>, %arg6: memref<64x64xf32, #tpu.memory_space<vmem>>, %arg7: memref<8x64xf32, #tpu.memory_space<vmem>>, %arg8: memref<1000x128xf32, #tpu.memory_space<vmem>>) attributes {dimension_semantics = [#tpu.dimension_semantics<arbitrary>], iteration_bounds = array<i64: 10>, scalar_prefetch = 0 : i64, scratch_operands = 0 : i64, tpu.core_type = #tpu.core_type<tc>, window_params = [{transform_indices = @transform_0, window_bounds = array<i64: 1000, 64>}, {transform_indices = @transform_1, window_bounds = array<i64: 1000, 1>}, {pipeline_mode = #tpu.pipeline_mode<synchronous>, transform_indices = @transform_2, window_bounds = array<i64: 8, 64>}, {pipeline_mode = #tpu.pipeline_mode<synchronous>, transform_indices = @transform_3, window_bounds = array<i64: 64, 64>}, {pipeline_mode = #tpu.pipeline_mode<synchronous>, transform_indices = @transform_4, window_bounds = array<i64: 64, 64>}, {pipeline_mode = #tpu.pipeline_mode<synchronous>, transform_indices = @transform_5, window_bounds = array<i64: 64, 64>}, {pipeline_mode = #tpu.pipeline_mode<synchronous>, transform_indices = @transform_6, window_bounds = array<i64: 8, 64>}, {transform_indices = @transform_7, window_bounds = array<i64: 1000, 128>}]} {
    %get3A = arith.constant 0 : index
    %get3A_0 = arith.constant 0 : index
    %get3A_1 = vector.load %arg1[%get3A, %get3A_0] : memref<1000x64xf32, #tpu.memory_space<vmem>>, vector<1000x64xf32>
    %get3A_2 = arith.constant 0 : index
    %get3A_3 = arith.constant 0 : index
    %get3A_4 = vector.load %arg2[%get3A_2, %get3A_3] : memref<1000x1xi32, #tpu.memory_space<vmem>>, vector<1000x1xi32>
    %iota3A = tpu.iota {dimensions = array<i32: 1>} : vector<1x8xi32>
    %eq3A = vector.broadcast %get3A_4 : vector<1000x1xi32> to vector<1000x8xi32>
    %eq3A_5 = vector.broadcast %iota3A : vector<1x8xi32> to vector<1000x8xi32>
    %eq3A_6 = arith.cmpi eq, %eq3A, %eq3A_5 : vector<1000x8xi32>
    %convert_element_type3A = arith.extui %eq3A_6 : vector<1000x8xi1> to vector<1000x8xi32>
    %convert_element_type3A_7 = arith.sitofp %convert_element_type3A : vector<1000x8xi32> to vector<1000x8xf32>
    %get3A_8 = arith.constant 0 : index
    %get3A_9 = arith.constant 0 : index
    %get3A_10 = vector.load %arg3[%get3A_8, %get3A_9] : memref<8x64xf32, #tpu.memory_space<vmem>>, vector<8x64xf32>
    %get3A_11 = arith.constant 0 : index
    %get3A_12 = arith.constant 0 : index
    %get3A_13 = vector.load %arg6[%get3A_11, %get3A_12] : memref<64x64xf32, #tpu.memory_space<vmem>>, vector<64x64xf32>
    %dot_general3A = arith.constant dense<0.000000e+00> : vector<8x64xf32>
    %dot_general3A_14 = tpu.matmul %get3A_10, %get3A_13, %dot_general3A {dimension_numbers = #tpu.dot_dimension_numbers<[1], [0], [0], [1], [0, 0, 1, 1], [], []>, precision = #tpu.contract_precision<fp32>, transpose_lhs_hint = false} : vector<8x64xf32>, vector<64x64xf32>, vector<8x64xf32> -> vector<8x64xf32>
    %get3A_15 = arith.constant 0 : index
    %get3A_16 = arith.constant 0 : index
    %get3A_17 = vector.load %arg4[%get3A_15, %get3A_16] : memref<64x64xf32, #tpu.memory_space<vmem>>, vector<64x64xf32>
    %dot_general3A_18 = arith.constant dense<0.000000e+00> : vector<1000x64xf32>
    %dot_general3A_19 = tpu.matmul %get3A_1, %get3A_17, %dot_general3A_18 {dimension_numbers = #tpu.dot_dimension_numbers<[1], [0], [0], [1], [0, 0, 1, 1], [], []>, precision = #tpu.contract_precision<fp32>, transpose_lhs_hint = false} : vector<1000x64xf32>, vector<64x64xf32>, vector<1000x64xf32> -> vector<1000x64xf32>
    %dot_general3A_20 = arith.constant dense<0.000000e+00> : vector<1000x64xf32>
    %dot_general3A_21 = tpu.matmul %convert_element_type3A_7, %dot_general3A_14, %dot_general3A_20 {dimension_numbers = #tpu.dot_dimension_numbers<[1], [0], [0], [1], [0, 0, 1, 1], [], []>, precision = #tpu.contract_precision<fp32>, transpose_lhs_hint = false} : vector<1000x8xf32>, vector<8x64xf32>, vector<1000x64xf32> -> vector<1000x64xf32>
    %add3A = arith.addf %dot_general3A_19, %dot_general3A_21 : vector<1000x64xf32>
    %get3A_22 = arith.constant 0 : index
    %get3A_23 = arith.constant 0 : index
    %get3A_24 = vector.load %arg7[%get3A_22, %get3A_23] : memref<8x64xf32, #tpu.memory_space<vmem>>, vector<8x64xf32>
    %slice3A = vector.extract_strided_slice %get3A_24 {offsets = [0, 0], sizes = [1, 64], strides = [1, 1]} : vector<8x64xf32> to vector<1x64xf32>
    %add3A_25 = vector.broadcast %slice3A : vector<1x64xf32> to vector<1000x64xf32>
    %add3A_26 = arith.addf %add3A, %add3A_25 : vector<1000x64xf32>
    %get3A_27 = arith.constant 0 : index
    %get3A_28 = arith.constant 0 : index
    %get3A_29 = vector.load %arg5[%get3A_27, %get3A_28] : memref<64x64xf32, #tpu.memory_space<vmem>>, vector<64x64xf32>
    %dot_general3A_30 = arith.constant dense<0.000000e+00> : vector<1000x64xf32>
    %dot_general3A_31 = tpu.matmul %get3A_1, %get3A_29, %dot_general3A_30 {dimension_numbers = #tpu.dot_dimension_numbers<[1], [0], [0], [1], [0, 0, 1, 1], [], []>, precision = #tpu.contract_precision<fp32>, transpose_lhs_hint = false} : vector<1000x64xf32>, vector<64x64xf32>, vector<1000x64xf32> -> vector<1000x64xf32>
    %concatenate3A = tpu.concatenate %add3A_26, %dot_general3A_31 in 1 : vector<1000x64xf32>, vector<1000x64xf32> -> vector<1000x128xf32>
    %swap3A = arith.constant 0 : index
    %swap3A_32 = arith.constant 0 : index
    %swap3A_33 = vector.load %arg8[%swap3A, %swap3A_32] : memref<1000x128xf32, #tpu.memory_space<vmem>>, vector<1000x128xf32>
    tpu.vector_store %arg8[%swap3A, %swap3A_32], %concatenate3A {strides = array<i32>} : memref<1000x128xf32, #tpu.memory_space<vmem>>, vector<1000x128xf32>,
    return
  }
  func.func @transform_0(%arg0: i32) -> (i32, i32) {
    %c0_i32 = arith.constant 0 : i32
    %c0_i32_0 = arith.constant 0 : i32
    return %arg0, %c0_i32 : i32, i32
  }
  func.func @transform_1(%arg0: i32) -> (i32, i32) {
    %c0_i32 = arith.constant 0 : i32
    %c0_i32_0 = arith.constant 0 : i32
    return %arg0, %c0_i32 : i32, i32
  }
  func.func @transform_2(%arg0: i32) -> (i32, i32) {
    %c0_i32 = arith.constant 0 : i32
    %c0_i32_0 = arith.constant 0 : i32
    %c0_i32_1 = arith.constant 0 : i32
    return %c0_i32, %c0_i32_0 : i32, i32
  }
  func.func @transform_3(%arg0: i32) -> (i32, i32) {
    %c0_i32 = arith.constant 0 : i32
    %c0_i32_0 = arith.constant 0 : i32
    %c0_i32_1 = arith.constant 0 : i32
    return %c0_i32, %c0_i32_0 : i32, i32
  }
  func.func @transform_4(%arg0: i32) -> (i32, i32) {
    %c0_i32 = arith.constant 0 : i32
    %c0_i32_0 = arith.constant 0 : i32
    %c0_i32_1 = arith.constant 0 : i32
    return %c0_i32, %c0_i32_0 : i32, i32
  }
  func.func @transform_5(%arg0: i32) -> (i32, i32) {
    %c0_i32 = arith.constant 0 : i32
    %c0_i32_0 = arith.constant 0 : i32
    %c0_i32_1 = arith.constant 0 : i32
    return %c0_i32, %c0_i32_0 : i32, i32
  }
  func.func @transform_6(%arg0: i32) -> (i32, i32) {
    %c0_i32 = arith.constant 0 : i32
    %c0_i32_0 = arith.constant 0 : i32
    %c0_i32_1 = arith.constant 0 : i32
    return %c0_i32, %c0_i32_0 : i32, i32
  }
  func.func @transform_7(%arg0: i32) -> (i32, i32) {
    %c0_i32 = arith.constant 0 : i32
    %c0_i32_0 = arith.constant 0 : i32
    return %arg0, %c0_i32 : i32, i32
  }
}

module attributes {stable_mosaic.version = 14 : i64} {
  func.func @_edge_body(%arg0: i32, %arg1: memref<2000x128xf32, #tpu.memory_space<vmem>>, %arg2: memref<2000x128xf32, #tpu.memory_space<vmem>>, %arg3: memref<64x64xf32, #tpu.memory_space<vmem>>, %arg4: memref<64x64xf32, #tpu.memory_space<vmem>>, %arg5: memref<8x64xf32, #tpu.memory_space<vmem>>, %arg6: memref<2000x128xf32, #tpu.memory_space<vmem>>) attributes {dimension_semantics = [#tpu.dimension_semantics<arbitrary>], iteration_bounds = array<i64: 160>, scalar_prefetch = 0 : i64, scratch_operands = 0 : i64, tpu.core_type = #tpu.core_type<tc>, window_params = [{transform_indices = @transform_0, window_bounds = array<i64: 2000, 128>}, {transform_indices = @transform_1, window_bounds = array<i64: 2000, 128>}, {pipeline_mode = #tpu.pipeline_mode<synchronous>, transform_indices = @transform_2, window_bounds = array<i64: 64, 64>}, {pipeline_mode = #tpu.pipeline_mode<synchronous>, transform_indices = @transform_3, window_bounds = array<i64: 64, 64>}, {pipeline_mode = #tpu.pipeline_mode<synchronous>, transform_indices = @transform_4, window_bounds = array<i64: 8, 64>}, {transform_indices = @transform_5, window_bounds = array<i64: 2000, 128>}]} {
    %get3A = arith.constant 0 : index
    %get3A_0 = arith.constant 0 : index
    %get3A_1 = vector.load %arg2[%get3A, %get3A_0] : memref<2000x128xf32, #tpu.memory_space<vmem>>, vector<2000x128xf32>
    %slice3A = vector.extract_strided_slice %get3A_1 {offsets = [0, 0], sizes = [2000, 64], strides = [1, 1]} : vector<2000x128xf32> to vector<2000x64xf32>
    %get3A_2 = arith.constant 0 : index
    %get3A_3 = arith.constant 0 : index
    %get3A_4 = vector.load %arg1[%get3A_2, %get3A_3] : memref<2000x128xf32, #tpu.memory_space<vmem>>, vector<2000x128xf32>
    %slice3A_5 = vector.extract_strided_slice %get3A_4 {offsets = [0, 0], sizes = [2000, 64], strides = [1, 1]} : vector<2000x128xf32> to vector<2000x64xf32>
    %get3A_6 = arith.constant 0 : index
    %get3A_7 = arith.constant 0 : index
    %get3A_8 = vector.load %arg3[%get3A_6, %get3A_7] : memref<64x64xf32, #tpu.memory_space<vmem>>, vector<64x64xf32>
    %dot_general3A = arith.constant dense<0.000000e+00> : vector<2000x64xf32>
    %dot_general3A_9 = tpu.matmul %slice3A, %get3A_8, %dot_general3A {dimension_numbers = #tpu.dot_dimension_numbers<[1], [0], [0], [1], [0, 0, 1, 1], [], []>, precision = #tpu.contract_precision<fp32>, transpose_lhs_hint = false} : vector<2000x64xf32>, vector<64x64xf32>, vector<2000x64xf32> -> vector<2000x64xf32>
    %add3A = arith.addf %slice3A_5, %dot_general3A_9 : vector<2000x64xf32>
    %max3A = arith.constant 0.000000e+00 : f32
    %max3A_10 = vector.broadcast %max3A : f32 to vector<2000x64xf32>
    %max3A_11 = arith.maximumf %add3A, %max3A_10 : vector<2000x64xf32>
    %get3A_12 = arith.constant 0 : index
    %get3A_13 = arith.constant 0 : index
    %get3A_14 = vector.load %arg4[%get3A_12, %get3A_13] : memref<64x64xf32, #tpu.memory_space<vmem>>, vector<64x64xf32>
    %dot_general3A_15 = arith.constant dense<0.000000e+00> : vector<2000x64xf32>
    %dot_general3A_16 = tpu.matmul %max3A_11, %get3A_14, %dot_general3A_15 {dimension_numbers = #tpu.dot_dimension_numbers<[1], [0], [0], [1], [0, 0, 1, 1], [], []>, precision = #tpu.contract_precision<fp32>, transpose_lhs_hint = false} : vector<2000x64xf32>, vector<64x64xf32>, vector<2000x64xf32> -> vector<2000x64xf32>
    %get3A_17 = arith.constant 0 : index
    %get3A_18 = arith.constant 0 : index
    %get3A_19 = vector.load %arg5[%get3A_17, %get3A_18] : memref<8x64xf32, #tpu.memory_space<vmem>>, vector<8x64xf32>
    %slice3A_20 = vector.extract_strided_slice %get3A_19 {offsets = [0, 0], sizes = [1, 64], strides = [1, 1]} : vector<8x64xf32> to vector<1x64xf32>
    %add3A_21 = vector.broadcast %slice3A_20 : vector<1x64xf32> to vector<2000x64xf32>
    %add3A_22 = arith.addf %dot_general3A_16, %add3A_21 : vector<2000x64xf32>
    %add3A_23 = arith.addf %add3A_22, %slice3A : vector<2000x64xf32>
    %broadcast_in_dim3A = arith.constant 0.000000e+00 : f32
    %broadcast_in_dim3A_24 = vector.broadcast %broadcast_in_dim3A : f32 to vector<2000x64xf32>
    %concatenate3A = tpu.concatenate %add3A_23, %broadcast_in_dim3A_24 in 1 : vector<2000x64xf32>, vector<2000x64xf32> -> vector<2000x128xf32>
    %swap3A = arith.constant 0 : index
    %swap3A_25 = arith.constant 0 : index
    %swap3A_26 = vector.load %arg6[%swap3A, %swap3A_25] : memref<2000x128xf32, #tpu.memory_space<vmem>>, vector<2000x128xf32>
    tpu.vector_store %arg6[%swap3A, %swap3A_25], %concatenate3A {strides = array<i32>} : memref<2000x128xf32, #tpu.memory_space<vmem>>, vector<2000x128xf32>,
    return
  }
  func.func @transform_0(%arg0: i32) -> (i32, i32) {
    %c0_i32 = arith.constant 0 : i32
    %c0_i32_0 = arith.constant 0 : i32
    return %arg0, %c0_i32 : i32, i32
  }
  func.func @transform_1(%arg0: i32) -> (i32, i32) {
    %c0_i32 = arith.constant 0 : i32
    %c0_i32_0 = arith.constant 0 : i32
    return %arg0, %c0_i32 : i32, i32
  }
  func.func @transform_2(%arg0: i32) -> (i32, i32) {
    %c0_i32 = arith.constant 0 : i32
    %c0_i32_0 = arith.constant 0 : i32
    %c0_i32_1 = arith.constant 0 : i32
    return %c0_i32, %c0_i32_0 : i32, i32
  }
  func.func @transform_3(%arg0: i32) -> (i32, i32) {
    %c0_i32 = arith.constant 0 : i32
    %c0_i32_0 = arith.constant 0 : i32
    %c0_i32_1 = arith.constant 0 : i32
    return %c0_i32, %c0_i32_0 : i32, i32
  }
  func.func @transform_4(%arg0: i32) -> (i32, i32) {
    %c0_i32 = arith.constant 0 : i32
    %c0_i32_0 = arith.constant 0 : i32
    %c0_i32_1 = arith.constant 0 : i32
    return %c0_i32, %c0_i32_0 : i32, i32
  }
  func.func @transform_5(%arg0: i32) -> (i32, i32) {
    %c0_i32 = arith.constant 0 : i32
    %c0_i32_0 = arith.constant 0 : i32
    return %arg0, %c0_i32 : i32, i32
  }
}

module attributes {stable_mosaic.version = 14 : i64} {
  func.func @_node_body(%arg0: i32, %arg1: memref<1000x64xf32, #tpu.memory_space<vmem>>, %arg2: memref<1000x64xf32, #tpu.memory_space<vmem>>, %arg3: memref<1000x64xf32, #tpu.memory_space<vmem>>, %arg4: memref<1000x8xf32, #tpu.memory_space<vmem>>, %arg5: memref<1000x1xi32, #tpu.memory_space<vmem>>, %arg6: memref<8x64xf32, #tpu.memory_space<vmem>>, %arg7: memref<64x64xf32, #tpu.memory_space<vmem>>, %arg8: memref<64x64xf32, #tpu.memory_space<vmem>>, %arg9: memref<64x64xf32, #tpu.memory_space<vmem>>, %arg10: memref<64x64xf32, #tpu.memory_space<vmem>>, %arg11: memref<64x64xf32, #tpu.memory_space<vmem>>, %arg12: memref<8x64xf32, #tpu.memory_space<vmem>>, %arg13: memref<64x64xf32, #tpu.memory_space<vmem>>, %arg14: memref<8x64xf32, #tpu.memory_space<vmem>>, %arg15: memref<64x64xf32, #tpu.memory_space<vmem>>, %arg16: memref<64x64xf32, #tpu.memory_space<vmem>>, %arg17: memref<8x64xf32, #tpu.memory_space<vmem>>, %arg18: memref<64x64xf32, #tpu.memory_space<vmem>>, %arg19: memref<8x64xf32, #tpu.memory_space<vmem>>, %arg20: memref<256x64xf32, #tpu.memory_space<vmem>>, %arg21: memref<8x64xf32, #tpu.memory_space<vmem>>, %arg22: memref<64x64xf32, #tpu.memory_space<vmem>>, %arg23: memref<8x64xf32, #tpu.memory_space<vmem>>, %arg24: memref<64x6xf32, #tpu.memory_space<vmem>>, %arg25: memref<8x6xf32, #tpu.memory_space<vmem>>, %arg26: memref<1000x64xf32, #tpu.memory_space<vmem>>, %arg27: memref<8x64xf32, #tpu.memory_space<vmem>>, %arg28: memref<8x64xf32, #tpu.memory_space<vmem>>, %arg29: memref<8x64xf32, #tpu.memory_space<vmem>>, %arg30: memref<8x6xf32, #tpu.memory_space<vmem>>) attributes {dimension_semantics = [#tpu.dimension_semantics<arbitrary>], iteration_bounds = array<i64: 10>, scalar_prefetch = 0 : i64, scratch_operands = 0 : i64, tpu.core_type = #tpu.core_type<tc>, window_params = [{transform_indices = @transform_0, window_bounds = array<i64: 1000, 64>}, {transform_indices = @transform_1, window_bounds = array<i64: 1000, 64>}, {transform_indices = @transform_2, window_bounds = array<i64: 1000, 64>}, {transform_indices = @transform_3, window_bounds = array<i64: 1000, 8>}, {transform_indices = @transform_4, window_bounds = array<i64: 1000, 1>}, {pipeline_mode = #tpu.pipeline_mode<synchronous>, transform_indices = @transform_5, window_bounds = array<i64: 8, 64>}, {pipeline_mode = #tpu.pipeline_mode<synchronous>, transform_indices = @transform_6, window_bounds = array<i64: 64, 64>}, {pipeline_mode = #tpu.pipeline_mode<synchronous>, transform_indices = @transform_7, window_bounds = array<i64: 64, 64>}, {pipeline_mode = #tpu.pipeline_mode<synchronous>, transform_indices = @transform_8, window_bounds = array<i64: 64, 64>}, {pipeline_mode = #tpu.pipeline_mode<synchronous>, transform_indices = @transform_9, window_bounds = array<i64: 64, 64>}, {pipeline_mode = #tpu.pipeline_mode<synchronous>, transform_indices = @transform_10, window_bounds = array<i64: 64, 64>}, {pipeline_mode = #tpu.pipeline_mode<synchronous>, transform_indices = @transform_11, window_bounds = array<i64: 8, 64>}, {pipeline_mode = #tpu.pipeline_mode<synchronous>, transform_indices = @transform_12, window_bounds = array<i64: 64, 64>}, {pipeline_mode = #tpu.pipeline_mode<synchronous>, transform_indices = @transform_13, window_bounds = array<i64: 8, 64>}, {pipeline_mode = #tpu.pipeline_mode<synchronous>, transform_indices = @transform_14, window_bounds = array<i64: 64, 64>}, {pipeline_mode = #tpu.pipeline_mode<synchronous>, transform_indices = @transform_15, window_bounds = array<i64: 64, 64>}, {pipeline_mode = #tpu.pipeline_mode<synchronous>, transform_indices = @transform_16, window_bounds = array<i64: 8, 64>}, {pipeline_mode = #tpu.pipeline_mode<synchronous>, transform_indices = @transform_17, window_bounds = array<i64: 64, 64>}, {pipeline_mode = #tpu.pipeline_mode<synchronous>, transform_indices = @transform_18, window_bounds = array<i64: 8, 64>}, {pipeline_mode = #tpu.pipeline_mode<synchronous>, transform_indices = @transform_19, window_bounds = array<i64: 256, 64>}, {pipeline_mode = #tpu.pipeline_mode<synchronous>, transform_indices = @transform_20, window_bounds = array<i64: 8, 64>}, {pipeline_mode = #tpu.pipeline_mode<synchronous>, transform_indices = @transform_21, window_bounds = array<i64: 64, 64>}, {pipeline_mode = #tpu.pipeline_mode<synchronous>, transform_indices = @transform_22, window_bounds = array<i64: 8, 64>}, {pipeline_mode = #tpu.pipeline_mode<synchronous>, transform_indices = @transform_23, window_bounds = array<i64: 64, 6>}, {pipeline_mode = #tpu.pipeline_mode<synchronous>, transform_indices = @transform_24, window_bounds = array<i64: 8, 6>}, {transform_indices = @transform_25, window_bounds = array<i64: 1000, 64>}, {pipeline_mode = #tpu.pipeline_mode<synchronous>, transform_indices = @transform_26, window_bounds = array<i64: 8, 64>}, {pipeline_mode = #tpu.pipeline_mode<synchronous>, transform_indices = @transform_27, window_bounds = array<i64: 8, 64>}, {pipeline_mode = #tpu.pipeline_mode<synchronous>, transform_indices = @transform_28, window_bounds = array<i64: 8, 64>}, {pipeline_mode = #tpu.pipeline_mode<synchronous>, transform_indices = @transform_29, window_bounds = array<i64: 8, 6>}]} {
    %get3A = arith.constant 0 : index
    %get3A_0 = arith.constant 0 : index
    %get3A_1 = vector.load %arg1[%get3A, %get3A_0] : memref<1000x64xf32, #tpu.memory_space<vmem>>, vector<1000x64xf32>
    %get3A_2 = arith.constant 0 : index
    %get3A_3 = arith.constant 0 : index
    %get3A_4 = vector.load %arg2[%get3A_2, %get3A_3] : memref<1000x64xf32, #tpu.memory_space<vmem>>, vector<1000x64xf32>
    %get3A_5 = arith.constant 0 : index
    %get3A_6 = arith.constant 0 : index
    %get3A_7 = vector.load %arg3[%get3A_5, %get3A_6] : memref<1000x64xf32, #tpu.memory_space<vmem>>, vector<1000x64xf32>
    %is_finite3A = tpu.weird %get3A_7 : vector<1000x64xf32> -> vector<1000x64xi1>
    %is_finite3A_8 = arith.constant dense<true> : vector<1000x64xi1>
    %is_finite3A_9 = arith.xori %is_finite3A, %is_finite3A_8 : vector<1000x64xi1>
    %jit3A = arith.constant 0.000000e+00 : f32
    %broadcast_in_dim3A = vector.broadcast %jit3A : f32 to vector<1000x64xf32>
    %select_n3A = arith.select %is_finite3A_9, %get3A_7, %broadcast_in_dim3A : vector<1000x64xi1>, vector<1000x64xf32>
    %get3A_10 = arith.constant 0 : index
    %get3A_11 = arith.constant 0 : index
    %get3A_12 = vector.load %arg4[%get3A_10, %get3A_11] : memref<1000x8xf32, #tpu.memory_space<vmem>>, vector<1000x8xf32>
    %slice3A = vector.extract_strided_slice %get3A_12 {offsets = [0, 0], sizes = [1000, 1], strides = [1, 1]} : vector<1000x8xf32> to vector<1000x1xf32>
    %max3A = arith.constant 1.000000e+00 : f32
    %max3A_13 = vector.broadcast %max3A : f32 to vector<1000x1xf32>
    %max3A_14 = arith.maximumf %slice3A, %max3A_13 : vector<1000x1xf32>
    %div3A = vector.broadcast %max3A_14 : vector<1000x1xf32> to vector<1000x64xf32>
    %div3A_15 = arith.divf %get3A_4, %div3A : vector<1000x64xf32>
    %get3A_16 = arith.constant 0 : index
    %get3A_17 = arith.constant 0 : index
    %get3A_18 = vector.load %arg5[%get3A_16, %get3A_17] : memref<1000x1xi32, #tpu.memory_space<vmem>>, vector<1000x1xi32>
    %iota3A = tpu.iota {dimensions = array<i32: 1>} : vector<1x8xi32>
    %eq3A = vector.broadcast %get3A_18 : vector<1000x1xi32> to vector<1000x8xi32>
    %eq3A_19 = vector.broadcast %iota3A : vector<1x8xi32> to vector<1000x8xi32>
    %eq3A_20 = arith.cmpi eq, %eq3A, %eq3A_19 : vector<1000x8xi32>
    %convert_element_type3A = arith.extui %eq3A_20 : vector<1000x8xi1> to vector<1000x8xi32>
    %convert_element_type3A_21 = arith.sitofp %convert_element_type3A : vector<1000x8xi32> to vector<1000x8xf32>
    %get3A_22 = arith.constant 0 : index
    %get3A_23 = arith.constant 0 : index
    %get3A_24 = vector.load %arg6[%get3A_22, %get3A_23] : memref<8x64xf32, #tpu.memory_space<vmem>>, vector<8x64xf32>
    %get3A_25 = arith.constant 0 : index
    %get3A_26 = arith.constant 0 : index
    %get3A_27 = vector.load %arg11[%get3A_25, %get3A_26] : memref<64x64xf32, #tpu.memory_space<vmem>>, vector<64x64xf32>
    %dot_general3A = arith.constant dense<0.000000e+00> : vector<8x64xf32>
    %dot_general3A_28 = tpu.matmul %get3A_24, %get3A_27, %dot_general3A {dimension_numbers = #tpu.dot_dimension_numbers<[1], [0], [0], [1], [0, 0, 1, 1], [], []>, precision = #tpu.contract_precision<fp32>, transpose_lhs_hint = false} : vector<8x64xf32>, vector<64x64xf32>, vector<8x64xf32> -> vector<8x64xf32>
    %get3A_29 = arith.constant 0 : index
    %get3A_30 = arith.constant 0 : index
    %get3A_31 = vector.load %arg7[%get3A_29, %get3A_30] : memref<64x64xf32, #tpu.memory_space<vmem>>, vector<64x64xf32>
    %dot_general3A_32 = arith.constant dense<0.000000e+00> : vector<1000x64xf32>
    %dot_general3A_33 = tpu.matmul %get3A_1, %get3A_31, %dot_general3A_32 {dimension_numbers = #tpu.dot_dimension_numbers<[1], [0], [0], [1], [0, 0, 1, 1], [], []>, precision = #tpu.contract_precision<fp32>, transpose_lhs_hint = false} : vector<1000x64xf32>, vector<64x64xf32>, vector<1000x64xf32> -> vector<1000x64xf32>
    %get3A_34 = arith.constant 0 : index
    %get3A_35 = arith.constant 0 : index
    %get3A_36 = vector.load %arg8[%get3A_34, %get3A_35] : memref<64x64xf32, #tpu.memory_space<vmem>>, vector<64x64xf32>
    %dot_general3A_37 = arith.constant dense<0.000000e+00> : vector<1000x64xf32>
    %dot_general3A_38 = tpu.matmul %get3A_4, %get3A_36, %dot_general3A_37 {dimension_numbers = #tpu.dot_dimension_numbers<[1], [0], [0], [1], [0, 0, 1, 1], [], []>, precision = #tpu.contract_precision<fp32>, transpose_lhs_hint = false} : vector<1000x64xf32>, vector<64x64xf32>, vector<1000x64xf32> -> vector<1000x64xf32>
    %add3A = arith.addf %dot_general3A_33, %dot_general3A_38 : vector<1000x64xf32>
    %get3A_39 = arith.constant 0 : index
    %get3A_40 = arith.constant 0 : index
    %get3A_41 = vector.load %arg9[%get3A_39, %get3A_40] : memref<64x64xf32, #tpu.memory_space<vmem>>, vector<64x64xf32>
    %dot_general3A_42 = arith.constant dense<0.000000e+00> : vector<1000x64xf32>
    %dot_general3A_43 = tpu.matmul %select_n3A, %get3A_41, %dot_general3A_42 {dimension_numbers = #tpu.dot_dimension_numbers<[1], [0], [0], [1], [0, 0, 1, 1], [], []>, precision = #tpu.contract_precision<fp32>, transpose_lhs_hint = false} : vector<1000x64xf32>, vector<64x64xf32>, vector<1000x64xf32> -> vector<1000x64xf32>
    %add3A_44 = arith.addf %add3A, %dot_general3A_43 : vector<1000x64xf32>
    %get3A_45 = arith.constant 0 : index
    %get3A_46 = arith.constant 0 : index
    %get3A_47 = vector.load %arg10[%get3A_45, %get3A_46] : memref<64x64xf32, #tpu.memory_space<vmem>>, vector<64x64xf32>
    %dot_general3A_48 = arith.constant dense<0.000000e+00> : vector<1000x64xf32>
    %dot_general3A_49 = tpu.matmul %div3A_15, %get3A_47, %dot_general3A_48 {dimension_numbers = #tpu.dot_dimension_numbers<[1], [0], [0], [1], [0, 0, 1, 1], [], []>, precision = #tpu.contract_precision<fp32>, transpose_lhs_hint = false} : vector<1000x64xf32>, vector<64x64xf32>, vector<1000x64xf32> -> vector<1000x64xf32>
    %add3A_50 = arith.addf %add3A_44, %dot_general3A_49 : vector<1000x64xf32>
    %dot_general3A_51 = arith.constant dense<0.000000e+00> : vector<1000x64xf32>
    %dot_general3A_52 = tpu.matmul %convert_element_type3A_21, %dot_general3A_28, %dot_general3A_51 {dimension_numbers = #tpu.dot_dimension_numbers<[1], [0], [0], [1], [0, 0, 1, 1], [], []>, precision = #tpu.contract_precision<fp32>, transpose_lhs_hint = false} : vector<1000x8xf32>, vector<8x64xf32>, vector<1000x64xf32> -> vector<1000x64xf32>
    %add3A_53 = arith.addf %add3A_50, %dot_general3A_52 : vector<1000x64xf32>
    %get3A_54 = arith.constant 0 : index
    %get3A_55 = arith.constant 0 : index
    %get3A_56 = vector.load %arg12[%get3A_54, %get3A_55] : memref<8x64xf32, #tpu.memory_space<vmem>>, vector<8x64xf32>
    %slice3A_57 = vector.extract_strided_slice %get3A_56 {offsets = [0, 0], sizes = [1, 64], strides = [1, 1]} : vector<8x64xf32> to vector<1x64xf32>
    %add3A_58 = vector.broadcast %slice3A_57 : vector<1x64xf32> to vector<1000x64xf32>
    %add3A_59 = arith.addf %add3A_53, %add3A_58 : vector<1000x64xf32>
    %max3A_60 = arith.constant 0.000000e+00 : f32
    %max3A_61 = vector.broadcast %max3A_60 : f32 to vector<1000x64xf32>
    %max3A_62 = arith.maximumf %add3A_59, %max3A_61 : vector<1000x64xf32>
    %get3A_63 = arith.constant 0 : index
    %get3A_64 = arith.constant 0 : index
    %get3A_65 = vector.load %arg13[%get3A_63, %get3A_64] : memref<64x64xf32, #tpu.memory_space<vmem>>, vector<64x64xf32>
    %dot_general3A_66 = arith.constant dense<0.000000e+00> : vector<1000x64xf32>
    %dot_general3A_67 = tpu.matmul %max3A_62, %get3A_65, %dot_general3A_66 {dimension_numbers = #tpu.dot_dimension_numbers<[1], [0], [0], [1], [0, 0, 1, 1], [], []>, precision = #tpu.contract_precision<fp32>, transpose_lhs_hint = false} : vector<1000x64xf32>, vector<64x64xf32>, vector<1000x64xf32> -> vector<1000x64xf32>
    %get3A_68 = arith.constant 0 : index
    %get3A_69 = arith.constant 0 : index
    %get3A_70 = vector.load %arg14[%get3A_68, %get3A_69] : memref<8x64xf32, #tpu.memory_space<vmem>>, vector<8x64xf32>
    %slice3A_71 = vector.extract_strided_slice %get3A_70 {offsets = [0, 0], sizes = [1, 64], strides = [1, 1]} : vector<8x64xf32> to vector<1x64xf32>
    %add3A_72 = vector.broadcast %slice3A_71 : vector<1x64xf32> to vector<1000x64xf32>
    %add3A_73 = arith.addf %dot_general3A_67, %add3A_72 : vector<1000x64xf32>
    %add3A_74 = arith.addf %add3A_73, %get3A_1 : vector<1000x64xf32>
    %swap3A = arith.constant 0 : index
    %swap3A_75 = arith.constant 0 : index
    %swap3A_76 = vector.load %arg26[%swap3A, %swap3A_75] : memref<1000x64xf32, #tpu.memory_space<vmem>>, vector<1000x64xf32>
    tpu.vector_store %arg26[%swap3A, %swap3A_75], %add3A_74 {strides = array<i32>} : memref<1000x64xf32, #tpu.memory_space<vmem>>, vector<1000x64xf32>,
    %dot_general3A_77 = arith.constant dense<0.000000e+00> : vector<8x64xf32>
    %dot_general3A_78 = tpu.matmul %convert_element_type3A_21, %add3A_74, %dot_general3A_77 {dimension_numbers = #tpu.dot_dimension_numbers<[0], [0], [1], [1], [0, 1, 1, 1], [], []>, precision = #tpu.contract_precision<fp32>, transpose_lhs_hint = false} : vector<1000x8xf32>, vector<1000x64xf32>, vector<8x64xf32> -> vector<8x64xf32>
    %eq3A_79 = arith.constant 0 : i32
    %eq3A_80 = vector.broadcast %eq3A_79 : i32 to vector<1000x1xi32>
    %eq3A_81 = arith.cmpi eq, %get3A_18, %eq3A_80 : vector<1000x1xi32>
    %jit3A_82 = arith.constant 0xFF800000 : f32
    %broadcast_in_dim3A_83 = vector.shape_cast %eq3A_81 : vector<1000x1xi1> to vector<1000x1xi1>
    %broadcast_in_dim3A_84 = vector.broadcast %broadcast_in_dim3A_83 : vector<1000x1xi1> to vector<1000x64xi1>
    %broadcast_in_dim3A_85 = vector.broadcast %jit3A_82 : f32 to vector<1000x64xf32>
    %select_n3A_86 = arith.select %broadcast_in_dim3A_84, %add3A_74, %broadcast_in_dim3A_85 : vector<1000x64xi1>, vector<1000x64xf32>
    %reduce_max3A = arith.constant dense<0xFF800000> : vector<64xf32>
    %reduce_max3A_87 = vector.multi_reduction <maximumf>, %select_n3A_86, %reduce_max3A [0] : vector<1000x64xf32> to vector<64xf32>
    %broadcast_in_dim3A_88 = vector.shape_cast %reduce_max3A_87 : vector<64xf32> to vector<1x64xf32>
    %eq3A_89 = arith.constant 1 : i32
    %eq3A_90 = vector.broadcast %eq3A_89 : i32 to vector<1000x1xi32>
    %eq3A_91 = arith.cmpi eq, %get3A_18, %eq3A_90 : vector<1000x1xi32>
    %jit3A_92 = arith.constant 0xFF800000 : f32
    %broadcast_in_dim3A_93 = vector.shape_cast %eq3A_91 : vector<1000x1xi1> to vector<1000x1xi1>
    %broadcast_in_dim3A_94 = vector.broadcast %broadcast_in_dim3A_93 : vector<1000x1xi1> to vector<1000x64xi1>
    %broadcast_in_dim3A_95 = vector.broadcast %jit3A_92 : f32 to vector<1000x64xf32>
    %select_n3A_96 = arith.select %broadcast_in_dim3A_94, %add3A_74, %broadcast_in_dim3A_95 : vector<1000x64xi1>, vector<1000x64xf32>
    %reduce_max3A_97 = arith.constant dense<0xFF800000> : vector<64xf32>
    %reduce_max3A_98 = vector.multi_reduction <maximumf>, %select_n3A_96, %reduce_max3A_97 [0] : vector<1000x64xf32> to vector<64xf32>
    %broadcast_in_dim3A_99 = vector.shape_cast %reduce_max3A_98 : vector<64xf32> to vector<1x64xf32>
    %eq3A_100 = arith.constant 2 : i32
    %eq3A_101 = vector.broadcast %eq3A_100 : i32 to vector<1000x1xi32>
    %eq3A_102 = arith.cmpi eq, %get3A_18, %eq3A_101 : vector<1000x1xi32>
    %jit3A_103 = arith.constant 0xFF800000 : f32
    %broadcast_in_dim3A_104 = vector.shape_cast %eq3A_102 : vector<1000x1xi1> to vector<1000x1xi1>
    %broadcast_in_dim3A_105 = vector.broadcast %broadcast_in_dim3A_104 : vector<1000x1xi1> to vector<1000x64xi1>
    %broadcast_in_dim3A_106 = vector.broadcast %jit3A_103 : f32 to vector<1000x64xf32>
    %select_n3A_107 = arith.select %broadcast_in_dim3A_105, %add3A_74, %broadcast_in_dim3A_106 : vector<1000x64xi1>, vector<1000x64xf32>
    %reduce_max3A_108 = arith.constant dense<0xFF800000> : vector<64xf32>
    %reduce_max3A_109 = vector.multi_reduction <maximumf>, %select_n3A_107, %reduce_max3A_108 [0] : vector<1000x64xf32> to vector<64xf32>
    %broadcast_in_dim3A_110 = vector.shape_cast %reduce_max3A_109 : vector<64xf32> to vector<1x64xf32>
    %eq3A_111 = arith.constant 3 : i32
    %eq3A_112 = vector.broadcast %eq3A_111 : i32 to vector<1000x1xi32>
    %eq3A_113 = arith.cmpi eq, %get3A_18, %eq3A_112 : vector<1000x1xi32>
    %jit3A_114 = arith.constant 0xFF800000 : f32
    %broadcast_in_dim3A_115 = vector.shape_cast %eq3A_113 : vector<1000x1xi1> to vector<1000x1xi1>
    %broadcast_in_dim3A_116 = vector.broadcast %broadcast_in_dim3A_115 : vector<1000x1xi1> to vector<1000x64xi1>
    %broadcast_in_dim3A_117 = vector.broadcast %jit3A_114 : f32 to vector<1000x64xf32>
    %select_n3A_118 = arith.select %broadcast_in_dim3A_116, %add3A_74, %broadcast_in_dim3A_117 : vector<1000x64xi1>, vector<1000x64xf32>
    %reduce_max3A_119 = arith.constant dense<0xFF800000> : vector<64xf32>
    %reduce_max3A_120 = vector.multi_reduction <maximumf>, %select_n3A_118, %reduce_max3A_119 [0] : vector<1000x64xf32> to vector<64xf32>
    %broadcast_in_dim3A_121 = vector.shape_cast %reduce_max3A_120 : vector<64xf32> to vector<1x64xf32>
    %eq3A_122 = arith.constant 4 : i32
    %eq3A_123 = vector.broadcast %eq3A_122 : i32 to vector<1000x1xi32>
    %eq3A_124 = arith.cmpi eq, %get3A_18, %eq3A_123 : vector<1000x1xi32>
    %jit3A_125 = arith.constant 0xFF800000 : f32
    %broadcast_in_dim3A_126 = vector.shape_cast %eq3A_124 : vector<1000x1xi1> to vector<1000x1xi1>
    %broadcast_in_dim3A_127 = vector.broadcast %broadcast_in_dim3A_126 : vector<1000x1xi1> to vector<1000x64xi1>
    %broadcast_in_dim3A_128 = vector.broadcast %jit3A_125 : f32 to vector<1000x64xf32>
    %select_n3A_129 = arith.select %broadcast_in_dim3A_127, %add3A_74, %broadcast_in_dim3A_128 : vector<1000x64xi1>, vector<1000x64xf32>
    %reduce_max3A_130 = arith.constant dense<0xFF800000> : vector<64xf32>
    %reduce_max3A_131 = vector.multi_reduction <maximumf>, %select_n3A_129, %reduce_max3A_130 [0] : vector<1000x64xf32> to vector<64xf32>
    %broadcast_in_dim3A_132 = vector.shape_cast %reduce_max3A_131 : vector<64xf32> to vector<1x64xf32>
    %eq3A_133 = arith.constant 5 : i32
    %eq3A_134 = vector.broadcast %eq3A_133 : i32 to vector<1000x1xi32>
    %eq3A_135 = arith.cmpi eq, %get3A_18, %eq3A_134 : vector<1000x1xi32>
    %jit3A_136 = arith.constant 0xFF800000 : f32
    %broadcast_in_dim3A_137 = vector.shape_cast %eq3A_135 : vector<1000x1xi1> to vector<1000x1xi1>
    %broadcast_in_dim3A_138 = vector.broadcast %broadcast_in_dim3A_137 : vector<1000x1xi1> to vector<1000x64xi1>
    %broadcast_in_dim3A_139 = vector.broadcast %jit3A_136 : f32 to vector<1000x64xf32>
    %select_n3A_140 = arith.select %broadcast_in_dim3A_138, %add3A_74, %broadcast_in_dim3A_139 : vector<1000x64xi1>, vector<1000x64xf32>
    %reduce_max3A_141 = arith.constant dense<0xFF800000> : vector<64xf32>
    %reduce_max3A_142 = vector.multi_reduction <maximumf>, %select_n3A_140, %reduce_max3A_141 [0] : vector<1000x64xf32> to vector<64xf32>
    %broadcast_in_dim3A_143 = vector.shape_cast %reduce_max3A_142 : vector<64xf32> to vector<1x64xf32>
    %eq3A_144 = arith.constant 6 : i32
    %eq3A_145 = vector.broadcast %eq3A_144 : i32 to vector<1000x1xi32>
    %eq3A_146 = arith.cmpi eq, %get3A_18, %eq3A_145 : vector<1000x1xi32>
    %jit3A_147 = arith.constant 0xFF800000 : f32
    %broadcast_in_dim3A_148 = vector.shape_cast %eq3A_146 : vector<1000x1xi1> to vector<1000x1xi1>
    %broadcast_in_dim3A_149 = vector.broadcast %broadcast_in_dim3A_148 : vector<1000x1xi1> to vector<1000x64xi1>
    %broadcast_in_dim3A_150 = vector.broadcast %jit3A_147 : f32 to vector<1000x64xf32>
    %select_n3A_151 = arith.select %broadcast_in_dim3A_149, %add3A_74, %broadcast_in_dim3A_150 : vector<1000x64xi1>, vector<1000x64xf32>
    %reduce_max3A_152 = arith.constant dense<0xFF800000> : vector<64xf32>
    %reduce_max3A_153 = vector.multi_reduction <maximumf>, %select_n3A_151, %reduce_max3A_152 [0] : vector<1000x64xf32> to vector<64xf32>
    %broadcast_in_dim3A_154 = vector.shape_cast %reduce_max3A_153 : vector<64xf32> to vector<1x64xf32>
    %eq3A_155 = arith.constant 7 : i32
    %eq3A_156 = vector.broadcast %eq3A_155 : i32 to vector<1000x1xi32>
    %eq3A_157 = arith.cmpi eq, %get3A_18, %eq3A_156 : vector<1000x1xi32>
    %jit3A_158 = arith.constant 0xFF800000 : f32
    %broadcast_in_dim3A_159 = vector.shape_cast %eq3A_157 : vector<1000x1xi1> to vector<1000x1xi1>
    %broadcast_in_dim3A_160 = vector.broadcast %broadcast_in_dim3A_159 : vector<1000x1xi1> to vector<1000x64xi1>
    %broadcast_in_dim3A_161 = vector.broadcast %jit3A_158 : f32 to vector<1000x64xf32>
    %select_n3A_162 = arith.select %broadcast_in_dim3A_160, %add3A_74, %broadcast_in_dim3A_161 : vector<1000x64xi1>, vector<1000x64xf32>
    %reduce_max3A_163 = arith.constant dense<0xFF800000> : vector<64xf32>
    %reduce_max3A_164 = vector.multi_reduction <maximumf>, %select_n3A_162, %reduce_max3A_163 [0] : vector<1000x64xf32> to vector<64xf32>
    %broadcast_in_dim3A_165 = vector.shape_cast %reduce_max3A_164 : vector<64xf32> to vector<1x64xf32>
    %concatenate3A = tpu.concatenate %broadcast_in_dim3A_88, %broadcast_in_dim3A_99, %broadcast_in_dim3A_110, %broadcast_in_dim3A_121, %broadcast_in_dim3A_132, %broadcast_in_dim3A_143, %broadcast_in_dim3A_154, %broadcast_in_dim3A_165 in 0 : vector<1x64xf32>, vector<1x64xf32>, vector<1x64xf32>, vector<1x64xf32>, vector<1x64xf32>, vector<1x64xf32>, vector<1x64xf32>, vector<1x64xf32> -> vector<8x64xf32>
    %reduce_sum3A = arith.constant dense<0.000000e+00> : vector<8xf32>
    %reduce_sum3A_166 = vector.multi_reduction <add>, %convert_element_type3A_21, %reduce_sum3A [0] : vector<1000x8xf32> to vector<8xf32>
    %broadcast_in_dim3A_167 = vector.shape_cast %reduce_sum3A_166 : vector<8xf32> to vector<8x1xf32>
    %broadcast_in_dim3A_168 = vector.shape_cast %broadcast_in_dim3A_167 : vector<8x1xf32> to vector<8x1xf32>
    %broadcast_in_dim3A_169 = vector.broadcast %broadcast_in_dim3A_168 : vector<8x1xf32> to vector<8x64xf32>
    %eq3A_170 = arith.constant 0 : i32
    %eq3A_171 = arith.cmpi eq, %arg0, %eq3A_170 : i32
    %convert_element_type3A_172 = arith.extui %eq3A_171 : i1 to i32
    %cond3A = arith.constant 0 : i32
    %cond3A_173 = arith.cmpi ne, %convert_element_type3A_172, %cond3A : i32
    scf.if %cond3A_173 {
      %swap3A_183 = arith.constant 0 : index
      %swap3A_184 = arith.constant 0 : index
      %swap3A_185 = vector.load %arg27[%swap3A_183, %swap3A_184] : memref<8x64xf32, #tpu.memory_space<vmem>>, vector<8x64xf32>
      tpu.vector_store %arg27[%swap3A_183, %swap3A_184], %dot_general3A_78 {strides = array<i32>} : memref<8x64xf32, #tpu.memory_space<vmem>>, vector<8x64xf32>,
      %swap3A_186 = arith.constant 0 : index
      %swap3A_187 = arith.constant 0 : index
      %swap3A_188 = vector.load %arg28[%swap3A_186, %swap3A_187] : memref<8x64xf32, #tpu.memory_space<vmem>>, vector<8x64xf32>
      tpu.vector_store %arg28[%swap3A_186, %swap3A_187], %concatenate3A {strides = array<i32>} : memref<8x64xf32, #tpu.memory_space<vmem>>, vector<8x64xf32>,
      %swap3A_189 = arith.constant 0 : index
      %swap3A_190 = arith.constant 0 : index
      %swap3A_191 = vector.load %arg29[%swap3A_189, %swap3A_190] : memref<8x64xf32, #tpu.memory_space<vmem>>, vector<8x64xf32>
      tpu.vector_store %arg29[%swap3A_189, %swap3A_190], %broadcast_in_dim3A_169 {strides = array<i32>} : memref<8x64xf32, #tpu.memory_space<vmem>>, vector<8x64xf32>,
    } else {
    }
    %gt3A = arith.constant 0 : i32
    %gt3A_174 = arith.cmpi sgt, %arg0, %gt3A : i32
    %convert_element_type3A_175 = arith.extui %gt3A_174 : i1 to i32
    %cond3A_176 = arith.constant 0 : i32
    %cond3A_177 = arith.cmpi ne, %convert_element_type3A_175, %cond3A_176 : i32
    scf.if %cond3A_177 {
      %get3A_183 = arith.constant 0 : index
      %get3A_184 = arith.constant 0 : index
      %get3A_185 = vector.load %arg27[%get3A_183, %get3A_184] : memref<8x64xf32, #tpu.memory_space<vmem>>, vector<8x64xf32>
      %add3A_186 = arith.addf %get3A_185, %dot_general3A_78 : vector<8x64xf32>
      %swap3A_187 = arith.constant 0 : index
      %swap3A_188 = arith.constant 0 : index
      %swap3A_189 = vector.load %arg27[%swap3A_187, %swap3A_188] : memref<8x64xf32, #tpu.memory_space<vmem>>, vector<8x64xf32>
      tpu.vector_store %arg27[%swap3A_187, %swap3A_188], %add3A_186 {strides = array<i32>} : memref<8x64xf32, #tpu.memory_space<vmem>>, vector<8x64xf32>,
      %get3A_190 = arith.constant 0 : index
      %get3A_191 = arith.constant 0 : index
      %get3A_192 = vector.load %arg28[%get3A_190, %get3A_191] : memref<8x64xf32, #tpu.memory_space<vmem>>, vector<8x64xf32>
      %max3A_193 = arith.maximumf %get3A_192, %concatenate3A : vector<8x64xf32>
      %swap3A_194 = arith.constant 0 : index
      %swap3A_195 = arith.constant 0 : index
      %swap3A_196 = vector.load %arg28[%swap3A_194, %swap3A_195] : memref<8x64xf32, #tpu.memory_space<vmem>>, vector<8x64xf32>
      tpu.vector_store %arg28[%swap3A_194, %swap3A_195], %max3A_193 {strides = array<i32>} : memref<8x64xf32, #tpu.memory_space<vmem>>, vector<8x64xf32>,
      %get3A_197 = arith.constant 0 : index
      %get3A_198 = arith.constant 0 : index
      %get3A_199 = vector.load %arg29[%get3A_197, %get3A_198] : memref<8x64xf32, #tpu.memory_space<vmem>>, vector<8x64xf32>
      %add3A_200 = arith.addf %get3A_199, %broadcast_in_dim3A_169 : vector<8x64xf32>
      %swap3A_201 = arith.constant 0 : index
      %swap3A_202 = arith.constant 0 : index
      %swap3A_203 = vector.load %arg29[%swap3A_201, %swap3A_202] : memref<8x64xf32, #tpu.memory_space<vmem>>, vector<8x64xf32>
      tpu.vector_store %arg29[%swap3A_201, %swap3A_202], %add3A_200 {strides = array<i32>} : memref<8x64xf32, #tpu.memory_space<vmem>>, vector<8x64xf32>,
    } else {
    }
    %eq3A_178 = arith.constant 9 : i32
    %eq3A_179 = arith.cmpi eq, %arg0, %eq3A_178 : i32
    %convert_element_type3A_180 = arith.extui %eq3A_179 : i1 to i32
    %cond3A_181 = arith.constant 0 : i32
    %cond3A_182 = arith.cmpi ne, %convert_element_type3A_180, %cond3A_181 : i32
    scf.if %cond3A_182 {
      %get3A_183 = arith.constant 0 : index
      %get3A_184 = arith.constant 0 : index
      %get3A_185 = vector.load %arg27[%get3A_183, %get3A_184] : memref<8x64xf32, #tpu.memory_space<vmem>>, vector<8x64xf32>
      %get3A_186 = arith.constant 0 : index
      %get3A_187 = arith.constant 0 : index
      %get3A_188 = vector.load %arg29[%get3A_186, %get3A_187] : memref<8x64xf32, #tpu.memory_space<vmem>>, vector<8x64xf32>
      %slice3A_189 = vector.extract_strided_slice %get3A_188 {offsets = [0, 0], sizes = [8, 1], strides = [1, 1]} : vector<8x64xf32> to vector<8x1xf32>
      %max3A_190 = arith.constant 1.000000e+00 : f32
      %max3A_191 = vector.broadcast %max3A_190 : f32 to vector<8x1xf32>
      %max3A_192 = arith.maximumf %slice3A_189, %max3A_191 : vector<8x1xf32>
      %div3A_193 = vector.broadcast %max3A_192 : vector<8x1xf32> to vector<8x64xf32>
      %div3A_194 = arith.divf %get3A_185, %div3A_193 : vector<8x64xf32>
      %get3A_195 = arith.constant 0 : index
      %get3A_196 = arith.constant 0 : index
      %get3A_197 = vector.load %arg15[%get3A_195, %get3A_196] : memref<64x64xf32, #tpu.memory_space<vmem>>, vector<64x64xf32>
      %dot_general3A_198 = arith.constant dense<0.000000e+00> : vector<8x64xf32>
      %dot_general3A_199 = tpu.matmul %get3A_24, %get3A_197, %dot_general3A_198 {dimension_numbers = #tpu.dot_dimension_numbers<[1], [0], [0], [1], [0, 0, 1, 1], [], []>, precision = #tpu.contract_precision<fp32>, transpose_lhs_hint = false} : vector<8x64xf32>, vector<64x64xf32>, vector<8x64xf32> -> vector<8x64xf32>
      %get3A_200 = arith.constant 0 : index
      %get3A_201 = arith.constant 0 : index
      %get3A_202 = vector.load %arg16[%get3A_200, %get3A_201] : memref<64x64xf32, #tpu.memory_space<vmem>>, vector<64x64xf32>
      %dot_general3A_203 = arith.constant dense<0.000000e+00> : vector<8x64xf32>
      %dot_general3A_204 = tpu.matmul %div3A_194, %get3A_202, %dot_general3A_203 {dimension_numbers = #tpu.dot_dimension_numbers<[1], [0], [0], [1], [0, 0, 1, 1], [], []>, precision = #tpu.contract_precision<fp32>, transpose_lhs_hint = false} : vector<8x64xf32>, vector<64x64xf32>, vector<8x64xf32> -> vector<8x64xf32>
      %add3A_205 = arith.addf %dot_general3A_199, %dot_general3A_204 : vector<8x64xf32>
      %get3A_206 = arith.constant 0 : index
      %get3A_207 = arith.constant 0 : index
      %get3A_208 = vector.load %arg17[%get3A_206, %get3A_207] : memref<8x64xf32, #tpu.memory_space<vmem>>, vector<8x64xf32>
      %slice3A_209 = vector.extract_strided_slice %get3A_208 {offsets = [0, 0], sizes = [1, 64], strides = [1, 1]} : vector<8x64xf32> to vector<1x64xf32>
      %add3A_210 = vector.broadcast %slice3A_209 : vector<1x64xf32> to vector<8x64xf32>
      %add3A_211 = arith.addf %add3A_205, %add3A_210 : vector<8x64xf32>
      %max3A_212 = arith.constant 0.000000e+00 : f32
      %max3A_213 = vector.broadcast %max3A_212 : f32 to vector<8x64xf32>
      %max3A_214 = arith.maximumf %add3A_211, %max3A_213 : vector<8x64xf32>
      %get3A_215 = arith.constant 0 : index
      %get3A_216 = arith.constant 0 : index
      %get3A_217 = vector.load %arg18[%get3A_215, %get3A_216] : memref<64x64xf32, #tpu.memory_space<vmem>>, vector<64x64xf32>
      %dot_general3A_218 = arith.constant dense<0.000000e+00> : vector<8x64xf32>
      %dot_general3A_219 = tpu.matmul %max3A_214, %get3A_217, %dot_general3A_218 {dimension_numbers = #tpu.dot_dimension_numbers<[1], [0], [0], [1], [0, 0, 1, 1], [], []>, precision = #tpu.contract_precision<fp32>, transpose_lhs_hint = false} : vector<8x64xf32>, vector<64x64xf32>, vector<8x64xf32> -> vector<8x64xf32>
      %get3A_220 = arith.constant 0 : index
      %get3A_221 = arith.constant 0 : index
      %get3A_222 = vector.load %arg19[%get3A_220, %get3A_221] : memref<8x64xf32, #tpu.memory_space<vmem>>, vector<8x64xf32>
      %slice3A_223 = vector.extract_strided_slice %get3A_222 {offsets = [0, 0], sizes = [1, 64], strides = [1, 1]} : vector<8x64xf32> to vector<1x64xf32>
      %add3A_224 = vector.broadcast %slice3A_223 : vector<1x64xf32> to vector<8x64xf32>
      %add3A_225 = arith.addf %dot_general3A_219, %add3A_224 : vector<8x64xf32>
      %add3A_226 = arith.addf %add3A_225, %get3A_24 : vector<8x64xf32>
      %get3A_227 = arith.constant 0 : index
      %get3A_228 = arith.constant 0 : index
      %get3A_229 = vector.load %arg28[%get3A_227, %get3A_228] : memref<8x64xf32, #tpu.memory_space<vmem>>, vector<8x64xf32>
      %is_finite3A_230 = tpu.weird %get3A_229 : vector<8x64xf32> -> vector<8x64xi1>
      %is_finite3A_231 = arith.constant dense<true> : vector<8x64xi1>
      %is_finite3A_232 = arith.xori %is_finite3A_230, %is_finite3A_231 : vector<8x64xi1>
      %jit3A_233 = arith.constant 0.000000e+00 : f32
      %broadcast_in_dim3A_234 = vector.broadcast %jit3A_233 : f32 to vector<8x64xf32>
      %select_n3A_235 = arith.select %is_finite3A_232, %get3A_229, %broadcast_in_dim3A_234 : vector<8x64xi1>, vector<8x64xf32>
      %concatenate3A_236 = tpu.concatenate %get3A_185, %div3A_194, %select_n3A_235, %add3A_226 in 1 : vector<8x64xf32>, vector<8x64xf32>, vector<8x64xf32>, vector<8x64xf32> -> vector<8x256xf32>
      %get3A_237 = arith.constant 0 : index
      %get3A_238 = arith.constant 0 : index
      %get3A_239 = vector.load %arg20[%get3A_237, %get3A_238] : memref<256x64xf32, #tpu.memory_space<vmem>>, vector<256x64xf32>
      %dot_general3A_240 = arith.constant dense<0.000000e+00> : vector<8x64xf32>
      %dot_general3A_241 = tpu.matmul %concatenate3A_236, %get3A_239, %dot_general3A_240 {dimension_numbers = #tpu.dot_dimension_numbers<[1], [0], [0], [1], [0, 0, 1, 1], [], []>, precision = #tpu.contract_precision<fp32>, transpose_lhs_hint = false} : vector<8x256xf32>, vector<256x64xf32>, vector<8x64xf32> -> vector<8x64xf32>
      %get3A_242 = arith.constant 0 : index
      %get3A_243 = arith.constant 0 : index
      %get3A_244 = vector.load %arg21[%get3A_242, %get3A_243] : memref<8x64xf32, #tpu.memory_space<vmem>>, vector<8x64xf32>
      %slice3A_245 = vector.extract_strided_slice %get3A_244 {offsets = [0, 0], sizes = [1, 64], strides = [1, 1]} : vector<8x64xf32> to vector<1x64xf32>
      %add3A_246 = vector.broadcast %slice3A_245 : vector<1x64xf32> to vector<8x64xf32>
      %add3A_247 = arith.addf %dot_general3A_241, %add3A_246 : vector<8x64xf32>
      %max3A_248 = arith.constant 0.000000e+00 : f32
      %max3A_249 = vector.broadcast %max3A_248 : f32 to vector<8x64xf32>
      %max3A_250 = arith.maximumf %add3A_247, %max3A_249 : vector<8x64xf32>
      %get3A_251 = arith.constant 0 : index
      %get3A_252 = arith.constant 0 : index
      %get3A_253 = vector.load %arg22[%get3A_251, %get3A_252] : memref<64x64xf32, #tpu.memory_space<vmem>>, vector<64x64xf32>
      %dot_general3A_254 = arith.constant dense<0.000000e+00> : vector<8x64xf32>
      %dot_general3A_255 = tpu.matmul %max3A_250, %get3A_253, %dot_general3A_254 {dimension_numbers = #tpu.dot_dimension_numbers<[1], [0], [0], [1], [0, 0, 1, 1], [], []>, precision = #tpu.contract_precision<fp32>, transpose_lhs_hint = false} : vector<8x64xf32>, vector<64x64xf32>, vector<8x64xf32> -> vector<8x64xf32>
      %get3A_256 = arith.constant 0 : index
      %get3A_257 = arith.constant 0 : index
      %get3A_258 = vector.load %arg23[%get3A_256, %get3A_257] : memref<8x64xf32, #tpu.memory_space<vmem>>, vector<8x64xf32>
      %slice3A_259 = vector.extract_strided_slice %get3A_258 {offsets = [0, 0], sizes = [1, 64], strides = [1, 1]} : vector<8x64xf32> to vector<1x64xf32>
      %add3A_260 = vector.broadcast %slice3A_259 : vector<1x64xf32> to vector<8x64xf32>
      %add3A_261 = arith.addf %dot_general3A_255, %add3A_260 : vector<8x64xf32>
      %max3A_262 = arith.constant 0.000000e+00 : f32
      %max3A_263 = vector.broadcast %max3A_262 : f32 to vector<8x64xf32>
      %max3A_264 = arith.maximumf %add3A_261, %max3A_263 : vector<8x64xf32>
      %get3A_265 = arith.constant 0 : index
      %get3A_266 = arith.constant 0 : index
      %get3A_267 = vector.load %arg24[%get3A_265, %get3A_266] : memref<64x6xf32, #tpu.memory_space<vmem>>, vector<64x6xf32>
      %dot_general3A_268 = arith.constant dense<0.000000e+00> : vector<8x6xf32>
      %dot_general3A_269 = tpu.matmul %max3A_264, %get3A_267, %dot_general3A_268 {dimension_numbers = #tpu.dot_dimension_numbers<[1], [0], [0], [1], [0, 0, 1, 1], [], []>, precision = #tpu.contract_precision<fp32>, transpose_lhs_hint = false} : vector<8x64xf32>, vector<64x6xf32>, vector<8x6xf32> -> vector<8x6xf32>
      %get3A_270 = arith.constant 0 : index
      %get3A_271 = arith.constant 0 : index
      %get3A_272 = vector.load %arg25[%get3A_270, %get3A_271] : memref<8x6xf32, #tpu.memory_space<vmem>>, vector<8x6xf32>
      %slice3A_273 = vector.extract_strided_slice %get3A_272 {offsets = [0, 0], sizes = [1, 6], strides = [1, 1]} : vector<8x6xf32> to vector<1x6xf32>
      %add3A_274 = vector.broadcast %slice3A_273 : vector<1x6xf32> to vector<8x6xf32>
      %add3A_275 = arith.addf %dot_general3A_269, %add3A_274 : vector<8x6xf32>
      %logistic3A = arith.negf %add3A_275 : vector<8x6xf32>
      %logistic3A_276 = math.exp %logistic3A : vector<8x6xf32>
      %logistic3A_277 = arith.constant 1.000000e+00 : f32
      %logistic3A_278 = vector.broadcast %logistic3A_277 : f32 to vector<8x6xf32>
      %logistic3A_279 = arith.addf %logistic3A_278, %logistic3A_276 : vector<8x6xf32>
      %logistic3A_280 = arith.divf %logistic3A_278, %logistic3A_279 : vector<8x6xf32>
      %swap3A_281 = arith.constant 0 : index
      %swap3A_282 = arith.constant 0 : index
      %swap3A_283 = vector.load %arg30[%swap3A_281, %swap3A_282] : memref<8x6xf32, #tpu.memory_space<vmem>>, vector<8x6xf32>
      tpu.vector_store %arg30[%swap3A_281, %swap3A_282], %logistic3A_280 {strides = array<i32>} : memref<8x6xf32, #tpu.memory_space<vmem>>, vector<8x6xf32>,
    } else {
    }
    return
  }
  func.func @transform_0(%arg0: i32) -> (i32, i32) {
    %c0_i32 = arith.constant 0 : i32
    %c0_i32_0 = arith.constant 0 : i32
    return %arg0, %c0_i32 : i32, i32
  }
  func.func @transform_1(%arg0: i32) -> (i32, i32) {
    %c0_i32 = arith.constant 0 : i32
    %c0_i32_0 = arith.constant 0 : i32
    return %arg0, %c0_i32 : i32, i32
  }
  func.func @transform_2(%arg0: i32) -> (i32, i32) {
    %c0_i32 = arith.constant 0 : i32
    %c0_i32_0 = arith.constant 0 : i32
    return %arg0, %c0_i32 : i32, i32
  }
  func.func @transform_3(%arg0: i32) -> (i32, i32) {
    %c0_i32 = arith.constant 0 : i32
    %c0_i32_0 = arith.constant 0 : i32
    return %arg0, %c0_i32 : i32, i32
  }
  func.func @transform_4(%arg0: i32) -> (i32, i32) {
    %c0_i32 = arith.constant 0 : i32
    %c0_i32_0 = arith.constant 0 : i32
    return %arg0, %c0_i32 : i32, i32
  }
  func.func @transform_5(%arg0: i32) -> (i32, i32) {
    %c0_i32 = arith.constant 0 : i32
    %c0_i32_0 = arith.constant 0 : i32
    %c0_i32_1 = arith.constant 0 : i32
    return %c0_i32, %c0_i32_0 : i32, i32
  }
  func.func @transform_6(%arg0: i32) -> (i32, i32) {
    %c0_i32 = arith.constant 0 : i32
    %c0_i32_0 = arith.constant 0 : i32
    %c0_i32_1 = arith.constant 0 : i32
    return %c0_i32, %c0_i32_0 : i32, i32
  }
  func.func @transform_7(%arg0: i32) -> (i32, i32) {
    %c0_i32 = arith.constant 0 : i32
    %c0_i32_0 = arith.constant 0 : i32
    %c0_i32_1 = arith.constant 0 : i32
    return %c0_i32, %c0_i32_0 : i32, i32
  }
  func.func @transform_8(%arg0: i32) -> (i32, i32) {
    %c0_i32 = arith.constant 0 : i32
    %c0_i32_0 = arith.constant 0 : i32
    %c0_i32_1 = arith.constant 0 : i32
    return %c0_i32, %c0_i32_0 : i32, i32
  }
  func.func @transform_9(%arg0: i32) -> (i32, i32) {
    %c0_i32 = arith.constant 0 : i32
    %c0_i32_0 = arith.constant 0 : i32
    %c0_i32_1 = arith.constant 0 : i32
    return %c0_i32, %c0_i32_0 : i32, i32
  }
  func.func @transform_10(%arg0: i32) -> (i32, i32) {
    %c0_i32 = arith.constant 0 : i32
    %c0_i32_0 = arith.constant 0 : i32
    %c0_i32_1 = arith.constant 0 : i32
    return %c0_i32, %c0_i32_0 : i32, i32
  }
  func.func @transform_11(%arg0: i32) -> (i32, i32) {
    %c0_i32 = arith.constant 0 : i32
    %c0_i32_0 = arith.constant 0 : i32
    %c0_i32_1 = arith.constant 0 : i32
    return %c0_i32, %c0_i32_0 : i32, i32
  }
  func.func @transform_12(%arg0: i32) -> (i32, i32) {
    %c0_i32 = arith.constant 0 : i32
    %c0_i32_0 = arith.constant 0 : i32
    %c0_i32_1 = arith.constant 0 : i32
    return %c0_i32, %c0_i32_0 : i32, i32
  }
  func.func @transform_13(%arg0: i32) -> (i32, i32) {
    %c0_i32 = arith.constant 0 : i32
    %c0_i32_0 = arith.constant 0 : i32
    %c0_i32_1 = arith.constant 0 : i32
    return %c0_i32, %c0_i32_0 : i32, i32
  }
  func.func @transform_14(%arg0: i32) -> (i32, i32) {
    %c0_i32 = arith.constant 0 : i32
    %c0_i32_0 = arith.constant 0 : i32
    %c0_i32_1 = arith.constant 0 : i32
    return %c0_i32, %c0_i32_0 : i32, i32
  }
  func.func @transform_15(%arg0: i32) -> (i32, i32) {
    %c0_i32 = arith.constant 0 : i32
    %c0_i32_0 = arith.constant 0 : i32
    %c0_i32_1 = arith.constant 0 : i32
    return %c0_i32, %c0_i32_0 : i32, i32
  }
  func.func @transform_16(%arg0: i32) -> (i32, i32) {
    %c0_i32 = arith.constant 0 : i32
    %c0_i32_0 = arith.constant 0 : i32
    %c0_i32_1 = arith.constant 0 : i32
    return %c0_i32, %c0_i32_0 : i32, i32
  }
  func.func @transform_17(%arg0: i32) -> (i32, i32) {
    %c0_i32 = arith.constant 0 : i32
    %c0_i32_0 = arith.constant 0 : i32
    %c0_i32_1 = arith.constant 0 : i32
    return %c0_i32, %c0_i32_0 : i32, i32
  }
  func.func @transform_18(%arg0: i32) -> (i32, i32) {
    %c0_i32 = arith.constant 0 : i32
    %c0_i32_0 = arith.constant 0 : i32
    %c0_i32_1 = arith.constant 0 : i32
    return %c0_i32, %c0_i32_0 : i32, i32
  }
  func.func @transform_19(%arg0: i32) -> (i32, i32) {
    %c0_i32 = arith.constant 0 : i32
    %c0_i32_0 = arith.constant 0 : i32
    %c0_i32_1 = arith.constant 0 : i32
    return %c0_i32, %c0_i32_0 : i32, i32
  }
  func.func @transform_20(%arg0: i32) -> (i32, i32) {
    %c0_i32 = arith.constant 0 : i32
    %c0_i32_0 = arith.constant 0 : i32
    %c0_i32_1 = arith.constant 0 : i32
    return %c0_i32, %c0_i32_0 : i32, i32
  }
  func.func @transform_21(%arg0: i32) -> (i32, i32) {
    %c0_i32 = arith.constant 0 : i32
    %c0_i32_0 = arith.constant 0 : i32
    %c0_i32_1 = arith.constant 0 : i32
    return %c0_i32, %c0_i32_0 : i32, i32
  }
  func.func @transform_22(%arg0: i32) -> (i32, i32) {
    %c0_i32 = arith.constant 0 : i32
    %c0_i32_0 = arith.constant 0 : i32
    %c0_i32_1 = arith.constant 0 : i32
    return %c0_i32, %c0_i32_0 : i32, i32
  }
  func.func @transform_23(%arg0: i32) -> (i32, i32) {
    %c0_i32 = arith.constant 0 : i32
    %c0_i32_0 = arith.constant 0 : i32
    %c0_i32_1 = arith.constant 0 : i32
    return %c0_i32, %c0_i32_0 : i32, i32
  }
  func.func @transform_24(%arg0: i32) -> (i32, i32) {
    %c0_i32 = arith.constant 0 : i32
    %c0_i32_0 = arith.constant 0 : i32
    %c0_i32_1 = arith.constant 0 : i32
    return %c0_i32, %c0_i32_0 : i32, i32
  }
  func.func @transform_25(%arg0: i32) -> (i32, i32) {
    %c0_i32 = arith.constant 0 : i32
    %c0_i32_0 = arith.constant 0 : i32
    return %arg0, %c0_i32 : i32, i32
  }
  func.func @transform_26(%arg0: i32) -> (i32, i32) {
    %c0_i32 = arith.constant 0 : i32
    %c0_i32_0 = arith.constant 0 : i32
    %c0_i32_1 = arith.constant 0 : i32
    return %c0_i32, %c0_i32_0 : i32, i32
  }
  func.func @transform_27(%arg0: i32) -> (i32, i32) {
    %c0_i32 = arith.constant 0 : i32
    %c0_i32_0 = arith.constant 0 : i32
    %c0_i32_1 = arith.constant 0 : i32
    return %c0_i32, %c0_i32_0 : i32, i32
  }
  func.func @transform_28(%arg0: i32) -> (i32, i32) {
    %c0_i32 = arith.constant 0 : i32
    %c0_i32_0 = arith.constant 0 : i32
    %c0_i32_1 = arith.constant 0 : i32
    return %c0_i32, %c0_i32_0 : i32, i32
  }
  func.func @transform_29(%arg0: i32) -> (i32, i32) {
    %c0_i32 = arith.constant 0 : i32
    %c0_i32_0 = arith.constant 0 : i32
    %c0_i32_1 = arith.constant 0 : i32
    return %c0_i32, %c0_i32_0 : i32, i32
  }
}

</mosaic_0001>

<sc_bundles>
// kernel: kernel.12.cloned.1.call-start
scs
__scs_entry_jumppad:
0x0: {  	(pc) =	sbr.rel $0x88, $3  }
0x1: {  	(tag) =	ssettag $0x0;
	lr =	simm.s32 $0x1  }
0x2: {  	[smem:$0x3F7E] =	sst lr;
	_ =	strace $0xD0000000  }
0x3: {  	_ = 	snop  }
0x4: {  	_ = 	snop  }
0x5: {  	_ = 	snop  }
0x6: {  	_ = 	snop  }
0x7: {  	_ = 	snop  }
__scs_overlays_trampoline_lowered:
0x8: {  	[smem:$0x3F8D] =	sst s0  }
0x9: {  	[smem:$0x3F8E] =	sst s1  }
0xa: {  	[smem:$0x3F8F] =	sst s2  }
0xb: {  	[smem:$0x3F90] =	sst s3  }
0xc: {  	[smem:$0x3F91] =	sst s4  }
0xd: {  	[smem:$0x3F92] =	sst s5  }
0xe: {  	[smem:$0x3F93] =	sst s6  }
0xf: {  	[smem:$0x3F94] =	sst s7  }
0x10: {  	[smem:$0x3F95] =	sst s8  }
0x11: {  	[smem:$0x3F96] =	sst s9;
	s0 =	simm.s32 @!p0 $0x0  }
0x12: {  	s1 =	sld [smem:$0x3F7C];
	s0 =	simm.s32 @p0 $0x1  }
0x13: {  	[smem:$0x3F97] =	sst s0;
	s0 =	simm.s32 @!p1 $0x0  }
0x14: {  	s2 =	sld [smem:$0x3F7B];
	s0 =	simm.s32 @p1 $0x1  }
0x15: {  	[smem:$0x3F98] =	sst s0;
	s0 =	simm.s32 @!p2 $0x0  }
0x16: {  	s3 =	sld [smem:$0x3FDB];
	s0 =	simm.s32 @p2 $0x1  }
0x17: {  	s4 =	simm.s32 $0x1BF5;
	[smem:$0x3F9A] =	sst s0  }
0x18: {  	s0 =	sld [smem:$0x3F7D];
	_ =	swait.ge [sflag:s4], $0x0  }
0x19: {  	s7 =	sld [smem:$0x3F7E]  }
0x1a: {  	s8 =	sadd.s32 $0xFFFFE003, lr  }
0x1b: {  	s9 =	sadd.s32 $0xFFFFFEF7, lr;
	s5 =	simm.s32 $0xFFFFFFFF;
	p2 =	slt.u32 s8, $0xFFFFF086  }
0x1c: {  	p1 =	slt.u32 s9, $0xF7A;
	s5 =	simm.s32 @!p2 $0x0  }
0x1d: {  	s5 =	simm.s32 @p1 $0x1;
	p0 =	seq.s32 s7, s2  }
0x1e: {  	s7 =	smul.u32 @!p0 $0xF7A, s2;
	p2 =	seq.s32 @!p0 s5, $0x0  }
0x1f: {  	s9 =	smul.u32 $0xF7A, s1;
	s8 =	simm.s32 @!p0 $0x1BF5;
	p2 =	por !p2, p0  }
0x20: {  	[sflag:s8] =	ssyncset.s32 @!p0 $0xFFFFF086;
	s6 =	sadd.s32 @!p0 s3, s7;
	s7 =	simm.s32 @!p0 $0x108  }
0x21: {  	s3 =	sadd.s32 s3, s9;
	s6 =	sadd.s32 @!p0 $0x88, s6;
	s7 =	simm.s32 @p2 $0x1082  }
0x22: {  	[simem:s7], [sflag:s8] =	dma.local @!p0 [hbm:s6], $0xF7A  }
0x23: {  	s9 =	sor.u32 $0xD0000000, s2;
	s6 =	simm.s32 $0x108;
	_ =	swait.ge @!p0 [sflag:s8], $0x0  }
0x24: {  	s3 =	sadd.s32 $0x88, s3;
	s6 =	simm.s32 @!p1 $0x1082;
	[sflag:s4] =	ssyncset.s32 $0xFFFFF086  }
0x25: {  	[simem:s6], [sflag:s4] =	dma.local [hbm:s3], $0xF7A  }
0x26: {  	[smem:$0x3F7E] =	sst s1;
	(tag) =	ssettag s2;
	_ =	strace s9  }
0x27: {  	s1 =	sld [smem:$0x3F8E]  }
0x28: {  	s2 =	sld [smem:$0x3F8F]  }
0x29: {  	s4 =	sld [smem:$0x3F91]  }
0x2a: {  	p0 =	seq.s32 s5, $0x0;
	s5 =	sld [smem:$0x3F92]  }
0x2b: {  	s6 =	sld [smem:$0x3F93]  }
0x2c: {  	s7 =	sld [smem:$0x3F94]  }
0x2d: {  	s3 =	simm.s32 $0x108;
	s8 =	sld [smem:$0x3F95]  }
0x2e: {  	s3 =	simm.s32 @!p0 $0x1082;
	s9 =	sld [smem:$0x3F96]  }
0x2f: {  	lr =	sadd.s32 s0, s3;
	s0 =	sld [smem:$0x3F8D]  }
0x30: {  	s3 =	sld [smem:$0x3F90]  }
0x31: {  	[smem:$0x3F99] =	sst s10  }
0x32: {  	s10 =	sld [smem:$0x3F97];
	_ =	sdelay $0x3  }
0x33: {  	p0 =	seq.s32 s10, $0x1;
	s10 =	sld [smem:$0x3F99];
	_ =	sdelay $0x3  }
0x34: {  	[smem:$0x3F99] =	sst s10  }
0x35: {  	s10 =	sld [smem:$0x3F98];
	_ =	sdelay $0x3  }
0x36: {  	p1 =	seq.s32 s10, $0x1;
	s10 =	sld [smem:$0x3F99];
	_ =	sdelay $0x3  }
0x37: {  	[smem:$0x3F99] =	sst s10  }
0x38: {  	s10 =	sld [smem:$0x3F9A]  }
0x39: {  	_ = 	snop;
	(pc) =	sbr.ind lr, $3  }
0x3a: {  	_ = 	snop  }
0x3b: {  	_ = 	snop  }
0x3c: {  	p2 =	seq.s32 s10, $0x1;
	s10 =	sld [smem:$0x3F99]  }
0x3d: {  	_ =	shalt  }
0x3e: {  	_ =	shalt  }
0x3f: {  	_ =	shalt  }
0x40: {  	_ =	shalt  }
0x41: {  	_ =	shalt  }
0x42: {  	_ =	shalt  }
0x43: {  	_ =	shalt  }
0x44: {  	_ =	shalt  }
0x45: {  	_ =	shalt  }
0x46: {  	_ =	shalt  }
0x47: {  	_ =	shalt  }
0x48: {  	_ =	shalt  }
0x49: {  	_ =	shalt  }
0x4a: {  	_ =	shalt  }
0x4b: {  	_ =	shalt  }
0x4c: {  	_ =	shalt  }
0x4d: {  	_ =	shalt  }
0x4e: {  	_ =	shalt  }
0x4f: {  	_ =	shalt  }
0x50: {  	_ =	shalt  }
0x51: {  	_ =	shalt  }
0x52: {  	_ =	shalt  }
0x53: {  	_ =	shalt  }
0x54: {  	_ =	shalt  }
0x55: {  	_ =	shalt  }
0x56: {  	_ =	shalt  }
0x57: {  	_ =	shalt  }
0x58: {  	_ =	shalt  }
0x59: {  	_ =	shalt  }
0x5a: {  	_ =	shalt  }
0x5b: {  	_ =	shalt  }
0x5c: {  	_ =	shalt  }
0x5d: {  	_ =	shalt  }
0x5e: {  	_ =	shalt  }
0x5f: {  	_ =	shalt  }
0x60: {  	_ =	shalt  }
0x61: {  	_ =	shalt  }
0x62: {  	_ =	shalt  }
0x63: {  	_ =	shalt  }
0x64: {  	_ =	shalt  }
0x65: {  	_ =	shalt  }
0x66: {  	_ =	shalt  }
0x67: {  	_ =	shalt  }
0x68: {  	_ =	shalt  }
0x69: {  	_ =	shalt  }
0x6a: {  	_ =	shalt  }
0x6b: {  	_ =	shalt  }
0x6c: {  	_ =	shalt  }
0x6d: {  	_ =	shalt  }
0x6e: {  	_ =	shalt  }
0x6f: {  	_ =	shalt  }
0x70: {  	_ =	shalt  }
0x71: {  	_ =	shalt  }
0x72: {  	_ =	shalt  }
0x73: {  	_ =	shalt  }
0x74: {  	_ =	shalt  }
0x75: {  	_ =	shalt  }
0x76: {  	_ =	shalt  }
0x77: {  	_ =	shalt  }
0x78: {  	_ =	shalt  }
0x79: {  	_ =	shalt  }
0x7a: {  	_ =	shalt  }
0x7b: {  	_ =	shalt  }
0x7c: {  	_ =	shalt  }
0x7d: {  	_ =	shalt  }
0x7e: {  	_ =	shalt  }
0x7f: {  	_ =	shalt  }
0x80: {  	_ =	shalt  }
0x81: {  	_ =	shalt  }
0x82: {  	_ =	shalt  }
0x83: {  	_ =	shalt  }
0x84: {  	_ =	shalt  }
0x85: {  	_ =	shalt  }
0x86: {  	_ =	shalt  }
0x87: {  	_ =	shalt  }
.Lfunc_end0:
.L_simem_size_0:
called_computation_lowered:
.L_overlay_start_0:
0x88: {  	s2 =	sld [smem:$0x3FD9]  }
0x89: {  	s3 =	sld [smem:$0x3FFE];
	_ =	sdelay $0x1  }
0x8a: {  	s1 =	srdreg.scid  }
0x8b: {  	s0 =	sand.u32 $0x1, s1  }
0x8c: {  	s16 =	sshll.u32 s0, $0xA;
	s2 =	sadd.s32 s3, s2  }
0x8d: {  	s2 =	sadd.s32 s2, s16  }
0x8e: {  	[smem:$0x3FA5] =	sst s2  }
0x8f: {  	_ = 	snop  }
0x90: {  	(tm) =	ssettm $0x1  }
0x91: {  	s17 =	sld [smem:$0x3FFB];
	_ =	sdelay $0x3  }
0x92: {  	_ =	strace s17  }
0x93: {  	s2 =	sld [smem:$0x3FFC];
	_ =	sdelay $0x3  }
0x94: {  	_ =	strace s2  }
0x95: {  	s2 =	sld [smem:$0x3FFD];
	_ =	sdelay $0x3  }
0x96: {  	_ =	strace s2  }
0x97: {  	_ =	strace $0x8FFFFFFF  }
0x98: {  	s18 =	sld [smem:$0x3FDB];
	_ =	sdelay $0x1  }
0x99: {  	s19 =	simm.s32 $_scs_section_size  }
0x9a: {  	s4 =	simm.s32 $_size__tile_overlayer_lowered;
	s5 =	simm.s32 $_tile_overlayer_lowered  }
0x9b: {  	s22 =	simm.s32 $0x1BFF;
	s21 =	sshll.u32 s5, $0x1;
	s2 =	sadd.s32 s19, s18  }
0x9c: {  	s6 =	simm.s32 $0x0;
	s20 =	sshll.u32 s4, $0x1;
	s4 =	sadd.s32 s21, s2  }
0x9d: {  	[timem:s6], [sflag:s22] =	dma.local [hbm:s4], s20  }
0x9e: {  	_ =	swait.ge [sflag:s22], s20  }
0x9f: {  	s3 =	ssub.s32 $0x0, s20;
	[sflag:s22] =	ssyncset.done $0x0  }
0xa0: {  	[sflag:s22] =	ssyncadd.s32 s3;
	_ =	sdelay $0x1  }
0xa1: {  	s23 =	simm.s32 $0x1B8B  }
0xa2: {  	_ =	swait.ge [sflag:s23], $0x1  }
0xa3: {  	[sflag:s23] =	ssyncset.done $0x0  }
0xa4: {  	s25 =	simm.s32 $0x1B8E;
	s24 =	sld [smem:$0x3FFE];
	[sflag:s23] =	ssyncadd.s32 $0xFFFFFFFF  }
0xa5: {  	s26 =	simm.s32 $execute0_lowered;
	[smem:$0x3FD2] =	sst s25  }
0xa6: {  	s4 =	sshll.u32 s26, $0x1;
	_ =	strace $0x80000046;
	[dreg:$0x1] =	wrdreg $0xFFFFFFFF  }
0xa7: {  	s28 =	simm.s32 $_size_execute0_lowered;
	s2 =	sadd.s32 s2, s4;
	[dreg:$0x0] =	wrdreg $0x0  }
0xa8: {  	s4 =	sshll.u32 s28, $0x1;
	[dreg:$0x2] =	wrdreg s2  }
0xa9: {  	[dreg:$0x3] =	wrdreg s4  }
0xaa: {  	[dreg:$0x4] =	wrdreg $0xC0  }
0xab: {  	_ =	task [dreg:s6], $0x5FFFF  }
0xac: {  	[dreg:$0x1] =	wrdreg $0xFFFFFFFF  }
0xad: {  	[dreg:$0x0] =	wrdreg $0x60  }
0xae: {  	[dreg:$0x2] =	wrdreg s24  }
0xaf: {  	[dreg:$0x3] =	wrdreg $0x9  }
0xb0: {  	_ =	task.clear_ibuf [dreg:s6], $0x4FFFF;
	_ =	strace $0x90000046  }
0xb1: {  	s29 =	simm.s32 $0x9;
	_ =	strace $0x80000048  }
0xb2: {  	_ =	swait.ge [sflag:s29], $0x1  }
0xb3: {  	[sflag:s29] =	ssyncadd.s32 $0xFFFFFFFF  }
0xb4: {  	_ =	strace $0x90000048  }
0xb5: {  	_ =	sfence  }
0xb6: {  	s30 =	sld [smem:$0x0];
	_ =	sdelay $0x2  }
0xb7: {  	s31 =	sshll.u32 s1, $0xD;
	s1 =	sshrl.u32 s1, $0x2  }
0xb8: {  	s3 =	sand.u32 $0x4000, s31;
	s1 =	sadd.s32 s1, s30  }
0xb9: {  	s0 =	sor.u32 s3, s0;
	s1 =	sshll.u32 s1, $0x11  }
0xba: {  	s0 =	sor.u32 s1, s0  }
0xbb: {  	s0 =	sadd.s32 $0x8F2B, s0  }
0xbc: {  	[sflag:s0] =	ssyncadd.remote.s32 $0x1  }
0xbd: {  	_ =	sfence.sel $0xFFFF  }
0xbe: {  	[dreg:$0x0] =	wrdreg $0xFFFFFFFF;
	(pc) =	sbr.abs _section_cstart, $3  }
0xbf: {  	[dreg:$0x1] =	wrdreg $0xFFFFFFFF  }
0xc0: {  	_ =	task.clear_ibuf [dreg:s6], $0x2FFFF;
	_ =	strace $0x9FFFFFFF  }
0xc1: {  	(tm) =	ssettm $0x7FFFFFFF  }
tec
execute0_lowered:
.L_overlay_start_1:
0x0: {  	(tag) =	ssettag $0x1  }
0x1: {  	s6 =	rddreg [dreg:$0x0]  }
0x2: {  	s0 =	rddreg [dreg:$0x1];
	s1 =	simm.s32 $0x0  }
0x3: {  	s4 =	srdreg.scid;
	s2 =	stileid.u32;
	s11 =	simm.s32 $0x50  }
0x4: {  	s12 =	simm.s32 $0x100;
	s13 =	simm.s32 $0x2900;
	s14 =	simm.s32 $0x1  }
0x5: {  	s15 =	simm.s32 $0x2;
	s16 =	simm.s32 $0x0;
	[smem:$0x7FF] =	sst s1  }
0x6: {  	s3 =	sadd.s32 $0x47000, s6;
	s7 =	sand.u32 $0x1, s4;
	s4 =	sadd.s32 $0x33400, s6  }
0x7: {  	s9 =	sshll.u32 s2, $0x1;
	s5 =	sadd.s32 $0x3D200, s6;
	s8 =	ssub.s32 $0x2, s7  }
0x8: {  	s6 =	sadd.s32 $0x6E200, s6;
	_ =	strace $0x80000047;
	s10 =	sshrl.u32 s8, $0x1  }
0x9: {  	s7 =	sor.u32 s7, s9;
	s9 =	simm.s32 $0x3;
	s8 =	ssub.s32 s8, s10  }
0xa: {  	s7 =	smul.u32 $0x2710, s7;
	s10 =	simm.s32 $0x80;
	s8 =	smax.u32 s8, $0x1  }
.LBB2_1:
0xb: {  	s17 =	simm.s32 $0x0  }
.LBB2_2:
0xc: {  	s18 =	smul.u32 $0x50, s17;
	_ =	sdelay $0x1  }
0xd: {  	s18 =	sadd.s32 s7, s18  }
0xe: {  	s19 =	sshrl.u32 s18, $0x3  }
0xf: {  	s21 =	simm.s32 $0x0;
	s20 =	sadd.s32 s4, s19  }
0x10: {  	[tilespmem:s21], [sflag:$0x3] =	stream.linear.gather [hbm4b:s20+s21], $0x50, $0x38;
	[tilespmem:$0x5100] =	vst v63  }
0x11: {  	_ =	swait.ge [sflag:s9], $0x50  }
0x12: {  	[sflag:s9] =	ssyncset.done $0x0  }
0x13: {  	s19 =	sadd.s32 s5, s19;
	[sflag:s9] =	ssyncadd.s32 $0xFFFFFFB0  }
0x14: {  	[tilespmem:s10], [sflag:$0x3] =	stream.linear.gather [hbm4b:s19+s21], $0x50, $0x38;
	[tilespmem:$0x5100] =	vst v63  }
0x15: {  	_ =	swait.ge [sflag:s9], $0x50  }
0x16: {  	[sflag:s9] =	ssyncset.done $0x0  }
0x17: {  	[sflag:s9] =	ssyncadd.s32 $0xFFFFFFB0  }
0x18: {  	[tilespmem:s12], [sflag:$0x1] =	stream.indirect.gather [hbm4b:s3+s11], $0x80, s21, s11, $0xb8;
	[tilespmem:$0x5100] =	vst v63  }
0x19: {  	_ = 	snop  }
0x1a: {  	[tilespmem:s13], [sflag:$0x2] =	stream.indirect.gather [hbm4b:s3+s11], $0x80, s10, s11, $0xb8;
	[tilespmem:$0x5100] =	vst v63  }
0x1b: {  	_ =	swait.ge [sflag:s14], $0x2800  }
0x1c: {  	[sflag:s14] =	ssyncset.done $0x0  }
0x1d: {  	[sflag:s14] =	ssyncadd.s32 $0xFFFFD800  }
0x1e: {  	_ =	swait.ge [sflag:s15], $0x2800  }
0x1f: {  	[sflag:s15] =	ssyncset.done $0x0  }
0x20: {  	s19 =	simm.s32 $0x0;
	[sflag:s15] =	ssyncadd.s32 $0xFFFFD800  }
0x21: {  	v5 =	vld [tilespmem:s19+$0x2940]  }
0x22: {  	v6 =	vld [tilespmem:s19+$0x2950]  }
0x23: {  	v1 =	vld [tilespmem:s19+$0x2960]  }
0x24: {  	v0 =	vld [tilespmem:s19+$0x2970]  }
0x25: {  	v2 =	vld [tilespmem:s19+$0x100]  }
0x26: {  	v4 =	vld [tilespmem:s19+$0x110]  }
0x27: {  	s20 =	simm.s32 $0x200;
	v3 =	vld [tilespmem:s19+$0x120]  }
.LBB2_3:
0x28: {  	s21 =	sshra.s32 s20, $0x2;
	p0 =	sne.s32 s20, $0x9E00;
	v7 =	vld [tilespmem:s19+$0x130];
	v8 =	vmov v1  }
0x29: {  	v9 =	vld [tilespmem:s21+$0x2940];
	v10 =	vmov v0  }
0x2a: {  	v11 =	vld [tilespmem:s21+$0x2950];
	v2 =	vadd.f32 v5, v2  }
.Ltmp0:
0x2b: {  	v1 =	vld [tilespmem:s21+$0x2960];
	v4 =	vadd.f32 v6, v4;
	(pc) =	sbr.rel @p0 .LBB2_3-.Ltmp0, $4  }
0x2c: {  	v0 =	vld [tilespmem:s21+$0x2970];
	[tilespmem:s19+$0x100] =	vst v2;
	v3 =	vadd.f32 v8, v3  }
0x2d: {  	v2 =	vld [tilespmem:s21+$0x100];
	[tilespmem:s19+$0x110] =	vst v4;
	v7 =	vadd.f32 v10, v7  }
0x2e: {  	v4 =	vld [tilespmem:s21+$0x110];
	[tilespmem:s19+$0x120] =	vst v3;
	v5 =	vmov v9  }
0x2f: {  	s20 =	sadd.s32 $0x200, s20;
	v3 =	vld [tilespmem:s21+$0x120];
	[tilespmem:s19+$0x130] =	vst v7;
	v6 =	vmov v11;
	s19 =	smov.u32 s21  }
0x30: {  	v7 =	vld [tilespmem:s19+$0x130];
	_ =	sdelay $0x1  }
0x31: {  	v2 =	vadd.f32 v5, v2  }
0x32: {  	v4 =	vadd.f32 v6, v4  }
0x33: {  	[tilespmem:s19+$0x100] =	vst v2;
	v1 =	vadd.f32 v1, v3  }
0x34: {  	s17 =	sadd.s32 $0x1, s17;
	[tilespmem:s19+$0x110] =	vst v4;
	v0 =	vadd.f32 v0, v7  }
0x35: {  	s18 =	sshll.u32 s18, $0x4;
	p0 =	sne.s32 s17, $0x7D;
	[tilespmem:s19+$0x120] =	vst v1  }
.Ltmp1:
0x36: {  	s18 =	sadd.s32 s6, s18;
	[tilespmem:s19+$0x130] =	vst v0;
	(pc) =	sbr.rel @p0 .LBB2_2-.Ltmp1, $4  }
0x37: {  	[hbm4b:s18+s1] =	stream.linear.scatter [tilespmem:s12], [sflag:$0x3], $0x2800, $0x38;
	[tilespmem:$0x5100] =	vst v63  }
0x38: {  	_ =	swait.ge [sflag:s9], $0x2800  }
0x39: {  	[sflag:s9] =	ssyncset.done $0x0  }
0x3a: {  	[sflag:s9] =	ssyncadd.s32 $0xFFFFD800  }
0x3b: {  	s16 =	sadd.s32 $0x1, s16  }
0x3c: {  	p0 =	sne.s32 s16, s8  }
.Ltmp2:
0x3d: {  	_ = 	snop;
	(pc) =	sbr.rel @p0 .LBB2_1-.Ltmp2, $1  }
0x3e: {  	_ =	sdelay $0x3  }
0x3f: {  	_ =	sfence.sel $0x180000  }
0x40: {  	[bflag:$0x0] =	sbarrier.arrive $0xFFFF  }
0x41: {  	p0 =	sne.s32 s2, $0x0;
	_ =	strace $0x90000047  }
0x42: {  	s0 =	sadd.s32 @!p0 $0x100000, s0;
	[bflag:$0x2] =	sbarrier.arrive $0xFFFF  }
0x43: {  	[sflag:s0] =	ssyncadd.tile.s32 @!p0 $0x1;
	_ =	shalt  }
.Lfunc_end2:
_tile_overlayer_lowered:
.L_overlay_start_2:
0x44: {  	(tag) =	ssettag $0x2  }
0x45: {  	s0 =	rddreg [dreg:$0x0];
	s2 =	stileid.u32  }
0x46: {  	s1 =	rddreg [dreg:$0x1];
	p0 =	sne.s32 s2, $0x0  }
0x47: {  	s3 =	rddreg [dreg:$0x2];
	[bflag:$0x3] =	sbarrier.arrive $0xFFFF;
	s2 =	simm.s32 @!p0 $0x1C03  }
0x48: {  	[timem:s3], [sflag:s2] =	dma.local @!p0 [hbm:s0], s1  }
0x49: {  	s0 =	simm.s32 @!p0 $0x3  }
0x4a: {  	_ =	swait.ge @!p0 [sflag:s0], s1  }
0x4b: {  	s1 =	ssub.s32 @!p0 $0x0, s1;
	[sflag:s0] =	ssyncset.done @!p0 $0x0  }
0x4c: {  	[sflag:s0] =	ssyncadd.s32 @!p0 s1  }
0x4d: {  	[bflag:$0x3] =	sbarrier.arrive $0xFFFF  }
0x4e: {  	_ =	shalt  }

// kernel: kernel.15.cloned.1.call-start
scs
__scs_entry_jumppad:
0x0: {  	(pc) =	sbr.rel $0x88, $3  }
0x1: {  	(tag) =	ssettag $0x0;
	lr =	simm.s32 $0x1  }
0x2: {  	[smem:$0x3F7E] =	sst lr;
	_ =	strace $0xD0000000  }
0x3: {  	_ = 	snop  }
0x4: {  	_ = 	snop  }
0x5: {  	_ = 	snop  }
0x6: {  	_ = 	snop  }
0x7: {  	_ = 	snop  }
__scs_overlays_trampoline_lowered:
0x8: {  	[smem:$0x3F8D] =	sst s0  }
0x9: {  	[smem:$0x3F8E] =	sst s1  }
0xa: {  	[smem:$0x3F8F] =	sst s2  }
0xb: {  	[smem:$0x3F90] =	sst s3  }
0xc: {  	[smem:$0x3F91] =	sst s4  }
0xd: {  	[smem:$0x3F92] =	sst s5  }
0xe: {  	[smem:$0x3F93] =	sst s6  }
0xf: {  	[smem:$0x3F94] =	sst s7  }
0x10: {  	[smem:$0x3F95] =	sst s8  }
0x11: {  	[smem:$0x3F96] =	sst s9;
	s0 =	simm.s32 @!p0 $0x0  }
0x12: {  	s1 =	sld [smem:$0x3F7C];
	s0 =	simm.s32 @p0 $0x1  }
0x13: {  	[smem:$0x3F97] =	sst s0;
	s0 =	simm.s32 @!p1 $0x0  }
0x14: {  	s2 =	sld [smem:$0x3F7B];
	s0 =	simm.s32 @p1 $0x1  }
0x15: {  	[smem:$0x3F98] =	sst s0;
	s0 =	simm.s32 @!p2 $0x0  }
0x16: {  	s3 =	sld [smem:$0x3FDB];
	s0 =	simm.s32 @p2 $0x1  }
0x17: {  	s4 =	simm.s32 $0x1BF5;
	[smem:$0x3F9A] =	sst s0  }
0x18: {  	s0 =	sld [smem:$0x3F7D];
	_ =	swait.ge [sflag:s4], $0x0  }
0x19: {  	s7 =	sld [smem:$0x3F7E]  }
0x1a: {  	s8 =	sadd.s32 $0xFFFFE003, lr  }
0x1b: {  	s9 =	sadd.s32 $0xFFFFFEF7, lr;
	s5 =	simm.s32 $0xFFFFFFFF;
	p2 =	slt.u32 s8, $0xFFFFF086  }
0x1c: {  	p1 =	slt.u32 s9, $0xF7A;
	s5 =	simm.s32 @!p2 $0x0  }
0x1d: {  	s5 =	simm.s32 @p1 $0x1;
	p0 =	seq.s32 s7, s2  }
0x1e: {  	s7 =	smul.u32 @!p0 $0xF7A, s2;
	p2 =	seq.s32 @!p0 s5, $0x0  }
0x1f: {  	s9 =	smul.u32 $0xF7A, s1;
	s8 =	simm.s32 @!p0 $0x1BF5;
	p2 =	por !p2, p0  }
0x20: {  	[sflag:s8] =	ssyncset.s32 @!p0 $0xFFFFF086;
	s6 =	sadd.s32 @!p0 s3, s7;
	s7 =	simm.s32 @!p0 $0x108  }
0x21: {  	s3 =	sadd.s32 s3, s9;
	s6 =	sadd.s32 @!p0 $0x88, s6;
	s7 =	simm.s32 @p2 $0x1082  }
0x22: {  	[simem:s7], [sflag:s8] =	dma.local @!p0 [hbm:s6], $0xF7A  }
0x23: {  	s9 =	sor.u32 $0xD0000000, s2;
	s6 =	simm.s32 $0x108;
	_ =	swait.ge @!p0 [sflag:s8], $0x0  }
0x24: {  	s3 =	sadd.s32 $0x88, s3;
	s6 =	simm.s32 @!p1 $0x1082;
	[sflag:s4] =	ssyncset.s32 $0xFFFFF086  }
0x25: {  	[simem:s6], [sflag:s4] =	dma.local [hbm:s3], $0xF7A  }
0x26: {  	[smem:$0x3F7E] =	sst s1;
	(tag) =	ssettag s2;
	_ =	strace s9  }
0x27: {  	s1 =	sld [smem:$0x3F8E]  }
0x28: {  	s2 =	sld [smem:$0x3F8F]  }
0x29: {  	s4 =	sld [smem:$0x3F91]  }
0x2a: {  	p0 =	seq.s32 s5, $0x0;
	s5 =	sld [smem:$0x3F92]  }
0x2b: {  	s6 =	sld [smem:$0x3F93]  }
0x2c: {  	s7 =	sld [smem:$0x3F94]  }
0x2d: {  	s3 =	simm.s32 $0x108;
	s8 =	sld [smem:$0x3F95]  }
0x2e: {  	s3 =	simm.s32 @!p0 $0x1082;
	s9 =	sld [smem:$0x3F96]  }
0x2f: {  	lr =	sadd.s32 s0, s3;
	s0 =	sld [smem:$0x3F8D]  }
0x30: {  	s3 =	sld [smem:$0x3F90]  }
0x31: {  	[smem:$0x3F99] =	sst s10  }
0x32: {  	s10 =	sld [smem:$0x3F97];
	_ =	sdelay $0x3  }
0x33: {  	p0 =	seq.s32 s10, $0x1;
	s10 =	sld [smem:$0x3F99];
	_ =	sdelay $0x3  }
0x34: {  	[smem:$0x3F99] =	sst s10  }
0x35: {  	s10 =	sld [smem:$0x3F98];
	_ =	sdelay $0x3  }
0x36: {  	p1 =	seq.s32 s10, $0x1;
	s10 =	sld [smem:$0x3F99];
	_ =	sdelay $0x3  }
0x37: {  	[smem:$0x3F99] =	sst s10  }
0x38: {  	s10 =	sld [smem:$0x3F9A]  }
0x39: {  	_ = 	snop;
	(pc) =	sbr.ind lr, $3  }
0x3a: {  	_ = 	snop  }
0x3b: {  	_ = 	snop  }
0x3c: {  	p2 =	seq.s32 s10, $0x1;
	s10 =	sld [smem:$0x3F99]  }
0x3d: {  	_ =	shalt  }
0x3e: {  	_ =	shalt  }
0x3f: {  	_ =	shalt  }
0x40: {  	_ =	shalt  }
0x41: {  	_ =	shalt  }
0x42: {  	_ =	shalt  }
0x43: {  	_ =	shalt  }
0x44: {  	_ =	shalt  }
0x45: {  	_ =	shalt  }
0x46: {  	_ =	shalt  }
0x47: {  	_ =	shalt  }
0x48: {  	_ =	shalt  }
0x49: {  	_ =	shalt  }
0x4a: {  	_ =	shalt  }
0x4b: {  	_ =	shalt  }
0x4c: {  	_ =	shalt  }
0x4d: {  	_ =	shalt  }
0x4e: {  	_ =	shalt  }
0x4f: {  	_ =	shalt  }
0x50: {  	_ =	shalt  }
0x51: {  	_ =	shalt  }
0x52: {  	_ =	shalt  }
0x53: {  	_ =	shalt  }
0x54: {  	_ =	shalt  }
0x55: {  	_ =	shalt  }
0x56: {  	_ =	shalt  }
0x57: {  	_ =	shalt  }
0x58: {  	_ =	shalt  }
0x59: {  	_ =	shalt  }
0x5a: {  	_ =	shalt  }
0x5b: {  	_ =	shalt  }
0x5c: {  	_ =	shalt  }
0x5d: {  	_ =	shalt  }
0x5e: {  	_ =	shalt  }
0x5f: {  	_ =	shalt  }
0x60: {  	_ =	shalt  }
0x61: {  	_ =	shalt  }
0x62: {  	_ =	shalt  }
0x63: {  	_ =	shalt  }
0x64: {  	_ =	shalt  }
0x65: {  	_ =	shalt  }
0x66: {  	_ =	shalt  }
0x67: {  	_ =	shalt  }
0x68: {  	_ =	shalt  }
0x69: {  	_ =	shalt  }
0x6a: {  	_ =	shalt  }
0x6b: {  	_ =	shalt  }
0x6c: {  	_ =	shalt  }
0x6d: {  	_ =	shalt  }
0x6e: {  	_ =	shalt  }
0x6f: {  	_ =	shalt  }
0x70: {  	_ =	shalt  }
0x71: {  	_ =	shalt  }
0x72: {  	_ =	shalt  }
0x73: {  	_ =	shalt  }
0x74: {  	_ =	shalt  }
0x75: {  	_ =	shalt  }
0x76: {  	_ =	shalt  }
0x77: {  	_ =	shalt  }
0x78: {  	_ =	shalt  }
0x79: {  	_ =	shalt  }
0x7a: {  	_ =	shalt  }
0x7b: {  	_ =	shalt  }
0x7c: {  	_ =	shalt  }
0x7d: {  	_ =	shalt  }
0x7e: {  	_ =	shalt  }
0x7f: {  	_ =	shalt  }
0x80: {  	_ =	shalt  }
0x81: {  	_ =	shalt  }
0x82: {  	_ =	shalt  }
0x83: {  	_ =	shalt  }
0x84: {  	_ =	shalt  }
0x85: {  	_ =	shalt  }
0x86: {  	_ =	shalt  }
0x87: {  	_ =	shalt  }
.Lfunc_end0:
.L_simem_size_0:
called_computation.1_lowered:
.L_overlay_start_0:
0x88: {  	s2 =	sld [smem:$0x3FD9]  }
0x89: {  	s3 =	sld [smem:$0x3FFE];
	_ =	sdelay $0x1  }
0x8a: {  	s1 =	srdreg.scid  }
0x8b: {  	s0 =	sand.u32 $0x1, s1  }
0x8c: {  	s16 =	sshll.u32 s0, $0xA;
	s2 =	sadd.s32 s3, s2  }
0x8d: {  	s2 =	sadd.s32 s2, s16  }
0x8e: {  	[smem:$0x3FA5] =	sst s2  }
0x8f: {  	_ = 	snop  }
0x90: {  	(tm) =	ssettm $0x1  }
0x91: {  	s17 =	sld [smem:$0x3FFB];
	_ =	sdelay $0x3  }
0x92: {  	_ =	strace s17  }
0x93: {  	s2 =	sld [smem:$0x3FFC];
	_ =	sdelay $0x3  }
0x94: {  	_ =	strace s2  }
0x95: {  	s2 =	sld [smem:$0x3FFD];
	_ =	sdelay $0x3  }
0x96: {  	_ =	strace s2  }
0x97: {  	_ =	strace $0x8FFFFFFF  }
0x98: {  	s18 =	sld [smem:$0x3FDB];
	_ =	sdelay $0x1  }
0x99: {  	s19 =	simm.s32 $_scs_section_size  }
0x9a: {  	s4 =	simm.s32 $_size__tile_overlayer_lowered;
	s5 =	simm.s32 $_tile_overlayer_lowered  }
0x9b: {  	s22 =	simm.s32 $0x1BFF;
	s21 =	sshll.u32 s5, $0x1;
	s2 =	sadd.s32 s19, s18  }
0x9c: {  	s6 =	simm.s32 $0x0;
	s20 =	sshll.u32 s4, $0x1;
	s4 =	sadd.s32 s21, s2  }
0x9d: {  	[timem:s6], [sflag:s22] =	dma.local [hbm:s4], s20  }
0x9e: {  	_ =	swait.ge [sflag:s22], s20  }
0x9f: {  	s3 =	ssub.s32 $0x0, s20;
	[sflag:s22] =	ssyncset.done $0x0  }
0xa0: {  	[sflag:s22] =	ssyncadd.s32 s3;
	_ =	sdelay $0x1  }
0xa1: {  	s23 =	simm.s32 $0x1B8B  }
0xa2: {  	_ =	swait.ge [sflag:s23], $0x1  }
0xa3: {  	[sflag:s23] =	ssyncset.done $0x0  }
0xa4: {  	s25 =	simm.s32 $0x1B8E;
	s24 =	sld [smem:$0x3FFE];
	[sflag:s23] =	ssyncadd.s32 $0xFFFFFFFF  }
0xa5: {  	s26 =	simm.s32 $execute0_lowered;
	[smem:$0x3FD2] =	sst s25  }
0xa6: {  	s4 =	sshll.u32 s26, $0x1;
	_ =	strace $0x80000049;
	[dreg:$0x1] =	wrdreg $0xFFFFFFFF  }
0xa7: {  	s28 =	simm.s32 $_size_execute0_lowered;
	s2 =	sadd.s32 s2, s4;
	[dreg:$0x0] =	wrdreg $0x0  }
0xa8: {  	s4 =	sshll.u32 s28, $0x1;
	[dreg:$0x2] =	wrdreg s2  }
0xa9: {  	[dreg:$0x3] =	wrdreg s4  }
0xaa: {  	[dreg:$0x4] =	wrdreg $0xC0  }
0xab: {  	_ =	task [dreg:s6], $0x5FFFF  }
0xac: {  	[dreg:$0x1] =	wrdreg $0xFFFFFFFF  }
0xad: {  	[dreg:$0x0] =	wrdreg $0x60  }
0xae: {  	[dreg:$0x2] =	wrdreg s24  }
0xaf: {  	[dreg:$0x3] =	wrdreg $0x9  }
0xb0: {  	_ =	task.clear_ibuf [dreg:s6], $0x4FFFF;
	_ =	strace $0x90000049  }
0xb1: {  	s29 =	simm.s32 $0x9;
	_ =	strace $0x8000004B  }
0xb2: {  	_ =	swait.ge [sflag:s29], $0x1  }
0xb3: {  	[sflag:s29] =	ssyncadd.s32 $0xFFFFFFFF  }
0xb4: {  	_ =	strace $0x9000004B  }
0xb5: {  	_ =	sfence  }
0xb6: {  	s30 =	sld [smem:$0x0];
	_ =	sdelay $0x2  }
0xb7: {  	s31 =	sshll.u32 s1, $0xD;
	s1 =	sshrl.u32 s1, $0x2  }
0xb8: {  	s3 =	sand.u32 $0x4000, s31;
	s1 =	sadd.s32 s1, s30  }
0xb9: {  	s0 =	sor.u32 s3, s0;
	s1 =	sshll.u32 s1, $0x11  }
0xba: {  	s0 =	sor.u32 s1, s0  }
0xbb: {  	s0 =	sadd.s32 $0x8F2B, s0  }
0xbc: {  	[sflag:s0] =	ssyncadd.remote.s32 $0x1  }
0xbd: {  	_ =	sfence.sel $0xFFFF  }
0xbe: {  	[dreg:$0x0] =	wrdreg $0xFFFFFFFF;
	(pc) =	sbr.abs _section_cstart, $3  }
0xbf: {  	[dreg:$0x1] =	wrdreg $0xFFFFFFFF  }
0xc0: {  	_ =	task.clear_ibuf [dreg:s6], $0x2FFFF;
	_ =	strace $0x9FFFFFFF  }
0xc1: {  	(tm) =	ssettm $0x7FFFFFFF  }
tec
execute0_lowered:
.L_overlay_start_1:
0x0: {  	(tag) =	ssettag $0x1  }
0x1: {  	s6 =	rddreg [dreg:$0x0]  }
0x2: {  	s0 =	rddreg [dreg:$0x1];
	s1 =	simm.s32 $0x0  }
0x3: {  	s4 =	srdreg.scid;
	s2 =	stileid.u32;
	s11 =	simm.s32 $0x50  }
0x4: {  	s12 =	simm.s32 $0x100;
	s13 =	simm.s32 $0x2900;
	s14 =	simm.s32 $0x1  }
0x5: {  	s15 =	simm.s32 $0x2;
	s16 =	simm.s32 $0x0;
	[smem:$0x7FF] =	sst s1  }
0x6: {  	s3 =	sadd.s32 $0x6E200, s6;
	s7 =	sand.u32 $0x1, s4;
	s4 =	sadd.s32 $0x33400, s6  }
0x7: {  	s9 =	sshll.u32 s2, $0x1;
	s5 =	sadd.s32 $0x3D200, s6;
	s8 =	ssub.s32 $0x2, s7  }
0x8: {  	s6 =	sadd.s32 $0xBCC00, s6;
	_ =	strace $0x8000004A;
	s10 =	sshrl.u32 s8, $0x1  }
0x9: {  	s7 =	sor.u32 s7, s9;
	s9 =	simm.s32 $0x3;
	s8 =	ssub.s32 s8, s10  }
0xa: {  	s7 =	smul.u32 $0x2710, s7;
	s10 =	simm.s32 $0x80;
	s8 =	smax.u32 s8, $0x1  }
.LBB2_1:
0xb: {  	s17 =	simm.s32 $0x0  }
.LBB2_2:
0xc: {  	s18 =	smul.u32 $0x50, s17;
	_ =	sdelay $0x1  }
0xd: {  	s18 =	sadd.s32 s7, s18  }
0xe: {  	s19 =	sshrl.u32 s18, $0x3  }
0xf: {  	s21 =	simm.s32 $0x0;
	s20 =	sadd.s32 s4, s19  }
0x10: {  	[tilespmem:s21], [sflag:$0x3] =	stream.linear.gather [hbm4b:s20+s21], $0x50, $0x38;
	[tilespmem:$0x5100] =	vst v63  }
0x11: {  	_ =	swait.ge [sflag:s9], $0x50  }
0x12: {  	[sflag:s9] =	ssyncset.done $0x0  }
0x13: {  	s19 =	sadd.s32 s5, s19;
	[sflag:s9] =	ssyncadd.s32 $0xFFFFFFB0  }
0x14: {  	[tilespmem:s10], [sflag:$0x3] =	stream.linear.gather [hbm4b:s19+s21], $0x50, $0x38;
	[tilespmem:$0x5100] =	vst v63  }
0x15: {  	_ =	swait.ge [sflag:s9], $0x50  }
0x16: {  	[sflag:s9] =	ssyncset.done $0x0  }
0x17: {  	[sflag:s9] =	ssyncadd.s32 $0xFFFFFFB0  }
0x18: {  	[tilespmem:s12], [sflag:$0x1] =	stream.indirect.gather [hbm4b:s3+s11], $0x80, s21, s11, $0xb8;
	[tilespmem:$0x5100] =	vst v63  }
0x19: {  	_ = 	snop  }
0x1a: {  	[tilespmem:s13], [sflag:$0x2] =	stream.indirect.gather [hbm4b:s3+s11], $0x80, s10, s11, $0xb8;
	[tilespmem:$0x5100] =	vst v63  }
0x1b: {  	_ =	swait.ge [sflag:s14], $0x2800  }
0x1c: {  	[sflag:s14] =	ssyncset.done $0x0  }
0x1d: {  	[sflag:s14] =	ssyncadd.s32 $0xFFFFD800  }
0x1e: {  	_ =	swait.ge [sflag:s15], $0x2800  }
0x1f: {  	[sflag:s15] =	ssyncset.done $0x0  }
0x20: {  	s19 =	simm.s32 $0x0;
	[sflag:s15] =	ssyncadd.s32 $0xFFFFD800  }
0x21: {  	v5 =	vld [tilespmem:s19+$0x2940]  }
0x22: {  	v6 =	vld [tilespmem:s19+$0x2950]  }
0x23: {  	v1 =	vld [tilespmem:s19+$0x2960]  }
0x24: {  	v0 =	vld [tilespmem:s19+$0x2970]  }
0x25: {  	v2 =	vld [tilespmem:s19+$0x100]  }
0x26: {  	v4 =	vld [tilespmem:s19+$0x110]  }
0x27: {  	s20 =	simm.s32 $0x200;
	v3 =	vld [tilespmem:s19+$0x120]  }
.LBB2_3:
0x28: {  	s21 =	sshra.s32 s20, $0x2;
	p0 =	sne.s32 s20, $0x9E00;
	v7 =	vld [tilespmem:s19+$0x130];
	v8 =	vmov v1  }
0x29: {  	v9 =	vld [tilespmem:s21+$0x2940];
	v10 =	vmov v0  }
0x2a: {  	v11 =	vld [tilespmem:s21+$0x2950];
	v2 =	vadd.f32 v5, v2  }
.Ltmp0:
0x2b: {  	v1 =	vld [tilespmem:s21+$0x2960];
	v4 =	vadd.f32 v6, v4;
	(pc) =	sbr.rel @p0 .LBB2_3-.Ltmp0, $4  }
0x2c: {  	v0 =	vld [tilespmem:s21+$0x2970];
	[tilespmem:s19+$0x100] =	vst v2;
	v3 =	vadd.f32 v8, v3  }
0x2d: {  	v2 =	vld [tilespmem:s21+$0x100];
	[tilespmem:s19+$0x110] =	vst v4;
	v7 =	vadd.f32 v10, v7  }
0x2e: {  	v4 =	vld [tilespmem:s21+$0x110];
	[tilespmem:s19+$0x120] =	vst v3;
	v5 =	vmov v9  }
0x2f: {  	s20 =	sadd.s32 $0x200, s20;
	v3 =	vld [tilespmem:s21+$0x120];
	[tilespmem:s19+$0x130] =	vst v7;
	v6 =	vmov v11;
	s19 =	smov.u32 s21  }
0x30: {  	v7 =	vld [tilespmem:s19+$0x130];
	_ =	sdelay $0x1  }
0x31: {  	v2 =	vadd.f32 v5, v2  }
0x32: {  	v4 =	vadd.f32 v6, v4  }
0x33: {  	[tilespmem:s19+$0x100] =	vst v2;
	v1 =	vadd.f32 v1, v3  }
0x34: {  	s17 =	sadd.s32 $0x1, s17;
	[tilespmem:s19+$0x110] =	vst v4;
	v0 =	vadd.f32 v0, v7  }
0x35: {  	s18 =	sshll.u32 s18, $0x4;
	p0 =	sne.s32 s17, $0x7D;
	[tilespmem:s19+$0x120] =	vst v1  }
.Ltmp1:
0x36: {  	s18 =	sadd.s32 s6, s18;
	[tilespmem:s19+$0x130] =	vst v0;
	(pc) =	sbr.rel @p0 .LBB2_2-.Ltmp1, $4  }
0x37: {  	[hbm4b:s18+s1] =	stream.linear.scatter [tilespmem:s12], [sflag:$0x3], $0x2800, $0x38;
	[tilespmem:$0x5100] =	vst v63  }
0x38: {  	_ =	swait.ge [sflag:s9], $0x2800  }
0x39: {  	[sflag:s9] =	ssyncset.done $0x0  }
0x3a: {  	[sflag:s9] =	ssyncadd.s32 $0xFFFFD800  }
0x3b: {  	s16 =	sadd.s32 $0x1, s16  }
0x3c: {  	p0 =	sne.s32 s16, s8  }
.Ltmp2:
0x3d: {  	_ = 	snop;
	(pc) =	sbr.rel @p0 .LBB2_1-.Ltmp2, $1  }
0x3e: {  	_ =	sdelay $0x3  }
0x3f: {  	_ =	sfence.sel $0x180000  }
0x40: {  	[bflag:$0x0] =	sbarrier.arrive $0xFFFF  }
0x41: {  	p0 =	sne.s32 s2, $0x0;
	_ =	strace $0x9000004A  }
0x42: {  	s0 =	sadd.s32 @!p0 $0x100000, s0;
	[bflag:$0x2] =	sbarrier.arrive $0xFFFF  }
0x43: {  	[sflag:s0] =	ssyncadd.tile.s32 @!p0 $0x1;
	_ =	shalt  }
.Lfunc_end2:
_tile_overlayer_lowered:
.L_overlay_start_2:
0x44: {  	(tag) =	ssettag $0x2  }
0x45: {  	s0 =	rddreg [dreg:$0x0];
	s2 =	stileid.u32  }
0x46: {  	s1 =	rddreg [dreg:$0x1];
	p0 =	sne.s32 s2, $0x0  }
0x47: {  	s3 =	rddreg [dreg:$0x2];
	[bflag:$0x3] =	sbarrier.arrive $0xFFFF;
	s2 =	simm.s32 @!p0 $0x1C03  }
0x48: {  	[timem:s3], [sflag:s2] =	dma.local @!p0 [hbm:s0], s1  }
0x49: {  	s0 =	simm.s32 @!p0 $0x3  }
0x4a: {  	_ =	swait.ge @!p0 [sflag:s0], s1  }
0x4b: {  	s1 =	ssub.s32 @!p0 $0x0, s1;
	[sflag:s0] =	ssyncset.done @!p0 $0x0  }
0x4c: {  	[sflag:s0] =	ssyncadd.s32 @!p0 s1  }
0x4d: {  	[bflag:$0x3] =	sbarrier.arrive $0xFFFF  }
0x4e: {  	_ =	shalt  }

</sc_bundles>
